<compile_context>
chip_gen: v7x
topology: tpu7x:2x2x1
jax: 0.10.2.dev20260603
libtpu: 0.0.44.dev20260713+nightly
codegen_flags: <defaults>
</compile_context>

<pallas_src>
import functools

import jax
import jax.numpy as jnp
from jax import lax
from jax.experimental import pallas as pl
from jax.experimental.pallas import tpu as pltpu
from jax.experimental.pallas import tpu_sc as plsc

_EPS = 1e-5


def _sc_gather_body(b_per_w, nc, table_hbm, idx_hbm, out_hbm, idx_v, rows_v, sem):
    wid = lax.axis_index("s") * nc + lax.axis_index("c")
    base = wid * b_per_w
    pltpu.sync_copy(idx_hbm.at[pl.ds(base, b_per_w)], idx_v)
    pltpu.async_copy(table_hbm.at[idx_v], rows_v, sem).wait()
    pltpu.sync_copy(rows_v, out_hbm.at[pl.ds(base, b_per_w)])


def _sc_gather(table, idx):
    N, D = table.shape
    info = plsc.get_sparse_core_info()
    nc, ns = info.num_cores, info.num_subcores
    b_per_w = N // (nc * ns)
    mesh = plsc.VectorSubcoreMesh(core_axis_name="c", subcore_axis_name="s")
    return pl.kernel(
        functools.partial(_sc_gather_body, b_per_w, nc),
        mesh=mesh,
        out_type=jax.ShapeDtypeStruct((N, D), jnp.float32),
        scratch_types=[
            pltpu.VMEM((b_per_w,), jnp.int32),
            pltpu.VMEM((b_per_w, D), jnp.float32),
            pltpu.SemaphoreType.DMA,
        ],
    )(table, idx)


def _ln_rows(x, g, b):
    mu = jnp.mean(x, axis=-1, keepdims=True)
    var = jnp.mean((x - mu) ** 2, axis=-1, keepdims=True)
    return (x - mu) * jax.lax.rsqrt(var + _EPS) * g + b


def _mega_kernel(n_cls, T, nt,
                 tok_ref, lab_ref, dic_ref, g_ref, b_ref, o_ref,
                 ln_ref, seg_ref, cnt_ref, posT_ref, dpos_ref):
    p = pl.program_id(0)

    @pl.when(p == 0)
    def _init():
        seg_ref[...] = jnp.zeros_like(seg_ref)
        cnt_ref[...] = jnp.zeros_like(cnt_ref)
        posT_ref[0, 0] = 0.0
        dpos_ref[0, 0] = 0.0

    @pl.when(p < nt)
    def _band_phase():
        i = p
        row = _ln_rows(tok_ref[pl.ds(i * T, T), :], g_ref[...], b_ref[...])
        ln_ref[pl.ds(i * T, T), :] = row
        labr = lab_ref[i, 0, :]

        cls = jax.lax.broadcasted_iota(jnp.int32, (n_cls, T), 0)
        onehot = (cls == labr[None, :]).astype(jnp.float32)
        seg_ref[...] += jax.lax.dot_general(
            onehot, row, (((1,), (0,)), ((), ())),
            preferred_element_type=jnp.float32,
        )
        cnt_ref[...] += jnp.sum(onehot, axis=1)[None, :]
        g = jax.lax.dot_general(
            dic_ref[...], row, (((1,), (1,)), ((), ())),
            preferred_element_type=jnp.float32,
        ) * (1.0 / 768.0)
        dpos_ref[0, 0] += 2.0 * jnp.sum(jnp.where(onehot > 0.0, jnp.exp(g), 0.0))

        lab_all = lab_ref[...]
        row_first = jnp.min(labr)
        jlo = jnp.sum((lab_all < row_first).astype(jnp.int32)) // T

        def body(j, acc):
            col = ln_ref[pl.ds(j * T, T), :]
            s = jax.lax.dot_general(
                row, col, (((1,), (1,)), ((), ())),
                preferred_element_type=jnp.float32,
            ) * (1.0 / 768.0)
            labc = lab_ref[j, 0, :]
            m = labr[:, None] == labc[None, :]
            w = jnp.where(j == i, 1.0, 2.0)
            return acc + w * jnp.sum(jnp.where(m, jnp.exp(s), 0.0))

        acc = jax.lax.fori_loop(jlo, i + 1, body, jnp.float32(0.0))
        posT_ref[0, 0] += acc

    @pl.when(p == nt)
    def _final_phase():
        dic = dic_ref[...]
        diag = jnp.sum(dic * dic, axis=1) * (1.0 / 768.0)
        pos_dic_diag = jnp.sum(jnp.exp(diag))

        cnt = cnt_ref[0, :]
        char_tem = (dic + seg_ref[...]) / (1.0 + cnt)[:, None]
        updated = dic + 0.1 * char_tem
        rowi = jax.lax.broadcasted_iota(jnp.int32, (n_cls, 1), 0)
        new_dic = jnp.where(rowi == 0, dic, updated)
        nd = _ln_rows(new_dic, g_ref[...], b_ref[...])

        sim = jax.lax.dot_general(
            nd, nd, (((1,), (1,)), ((), ())),
            preferred_element_type=jnp.float32,
        ) * (1.0 / 768.0)
        rr = jax.lax.broadcasted_iota(jnp.int32, (n_cls, n_cls), 0)
        cc = jax.lax.broadcasted_iota(jnp.int32, (n_cls, n_cls), 1)
        keep = jnp.logical_and(rr > 0, cc > 0)
        neg = jnp.sum(jnp.where(keep, jnp.exp(sim), 0.0))

        pos = posT_ref[0, 0] + dpos_ref[0, 0] + pos_dic_diag
        o_ref[...] = (-jnp.log(pos / neg)).reshape(1, 1)


def kernel(input_f, target, char_dic, ln1_gamma, ln1_beta):
    B, L, D = input_f.shape
    N = B * L
    n_cls = char_dic.shape[0]
    tokens = input_f.reshape(N, D)
    labels = target.reshape(N).astype(jnp.int32)
    g2 = ln1_gamma.reshape(1, D)
    b2 = ln1_beta.reshape(1, D)

    idx = jnp.arange(N, dtype=jnp.int32)
    skey = jnp.sort(labels * N + idx)
    perm = jnp.bitwise_and(skey, N - 1)
    slab = jax.lax.shift_right_logical(skey, 12)
    stok = _sc_gather(tokens, perm)

    T = 256
    nt = N // T
    lab3 = slab.reshape(nt, 1, T)

    loss = pl.pallas_call(
        functools.partial(_mega_kernel, n_cls, T, nt),
        grid=(nt + 1,),
        in_specs=[
            pl.BlockSpec((N, D), lambda p: (0, 0)),
            pl.BlockSpec((nt, 1, T), lambda p: (0, 0, 0)),
            pl.BlockSpec((n_cls, D), lambda p: (0, 0)),
            pl.BlockSpec((1, D), lambda p: (0, 0)),
            pl.BlockSpec((1, D), lambda p: (0, 0)),
        ],
        out_specs=pl.BlockSpec((1, 1), lambda p: (0, 0)),
        out_shape=jax.ShapeDtypeStruct((1, 1), jnp.float32),
        scratch_shapes=[
            pltpu.VMEM((N, D), jnp.float32),
            pltpu.VMEM((n_cls, D), jnp.float32),
            pltpu.VMEM((1, n_cls), jnp.float32),
            pltpu.SMEM((1, 1), jnp.float32),
            pltpu.SMEM((1, 1), jnp.float32),
        ],
    )(stok, lab3, char_dic, g2, b2)

    return loss.reshape(1)

# --- scband reference (transcript-rebuilt; emitter-appended) ---
"""Pipeline reference for scband-contrast-loss1-26731876450776 (READ-ONLY COPY).

The authoritative reference and input builder live on the scoring server;
editing this copy changes nothing except your own understanding.
"""

import jax, jax.numpy as jnp
import numpy as np


def _layer_norm(x, gamma, beta, eps=1e-5):
    mu = jnp.mean(x, axis=-1, keepdims=True)
    var = jnp.mean((x - mu) ** 2, axis=-1, keepdims=True)
    return (x - mu) / jnp.sqrt(var + eps) * gamma + beta


def setup_inputs(seed: int = 0) -> dict:
    key = jax.random.key(seed)
    k1, k2 = jax.random.split(key)
    input_f = jax.random.normal(k1, (8, 512, 768), dtype=jnp.float32)
    target = jax.random.randint(k2, (8, 512), 0, 96, dtype=jnp.int32)
    char_dic = jnp.zeros((96, 768), dtype=jnp.float32)
    ln1_gamma = jnp.ones((768,), dtype=jnp.float32)
    ln1_beta = jnp.zeros((768,), dtype=jnp.float32)
    return {"input_f": input_f, "target": target, "char_dic": char_dic, "ln1_gamma": ln1_gamma, "ln1_beta": ln1_beta}


def reference(input_f, target, char_dic, ln1_gamma, ln1_beta):
    # input_f -> layer_norm1
    x = _layer_norm(input_f, ln1_gamma, ln1_beta)
    B, L, D = x.shape
    tokens = x.reshape(B * L, D)
    labels = target.reshape(-1)
    n_cls = char_dic.shape[0]
    # char_tem[c] = [char_dic[c]] ++ tokens with target==c.
    # sum_c sum(exp(char_tem[c] @ char_tem[c].T / 768)) == sum over all ordered
    # same-class pairs (incl. diagonal) of exp(dot/768), where each char_dic row
    # carries its own class label.
    all_vecs = jnp.concatenate([char_dic, tokens], axis=0)
    all_labels = jnp.concatenate([jnp.arange(n_cls, dtype=labels.dtype), labels], axis=0)
    S = (all_vecs @ all_vecs.T) / 768.0
    same = all_labels[:, None] == all_labels[None, :]
    total_positive_loss = jnp.array([0.0], dtype=jnp.float32) + jnp.sum(jnp.where(same, jnp.exp(S), 0.0))
    # per-class mean (group = 1 dictionary row + matching tokens), classes 1..95 update the dic
    seg_sum = jax.ops.segment_sum(tokens, labels, num_segments=n_cls)
    counts = jnp.bincount(labels, length=n_cls)
    char_tem_dic = (char_dic + seg_sum) / (1.0 + counts.astype(jnp.float32))[:, None]
    updated = char_dic + 0.1 * char_tem_dic
    new_dic = jnp.concatenate([char_dic[:1], updated[1:]], axis=0)
    # torch does the dictionary update and its layer_norm under no_grad
    new_dic = jax.lax.stop_gradient(_layer_norm(new_dic, ln1_gamma, ln1_beta))
    total_negative_sim = jnp.exp((new_dic[1:] @ new_dic[1:].T) / 768.0)
    total_negative_loss = jnp.sum(total_negative_sim)
    return -jnp.log(total_positive_loss / total_negative_loss)

if __name__ == "__main__":
    import jax
    _d = setup_inputs()
    print(jax.jit(kernel)(*tuple(_d.values())))

</pallas_src>

<mosaic_0001>
#map = affine_map<(d0, d1) -> (0, 0)>
#map1 = affine_map<(d0, d1) -> (0)>
module attributes {stable_mosaic.version = 14 : i64} {
  func.func @_sc_gather_body(%arg0: i32, %arg1: i32, %arg2: memref<4096x768xf32, #tpu.memory_space<hbm>>, %arg3: memref<4096xi32, #tpu.memory_space<hbm>>, %arg4: memref<4096x768xf32, #tpu.memory_space<hbm>>, %arg5: memref<128xi32, #tpu.memory_space<vmem>>, %arg6: memref<128x768xf32, #tpu.memory_space<vmem>>, %arg7: memref<!tpu.dma_semaphore, #tpu.memory_space<semaphore_mem>>) attributes {dimension_semantics = [#tpu.dimension_semantics<core_parallel>, #tpu.dimension_semantics<subcore_parallel>], iteration_bounds = array<i64: 2, 16>, scalar_prefetch = 0 : i64, scratch_operands = 3 : i64, tpu.core_type = #tpu.core_type<sc_vector_subcore>, window_params = [{transform_indices = #map}, {transform_indices = #map1}, {transform_indices = #map}]} {
    %mul3A = arith.constant 2 : i32
    %mul3A_0 = arith.muli %arg1, %mul3A : i32
    %add3A = arith.addi %mul3A_0, %arg0 : i32
    %mul3A_1 = arith.constant 128 : i32
    %mul3A_2 = arith.muli %add3A, %mul3A_1 : i32
    "tpu.region"() ({
      %run_scoped3A = tpu.sem_alloc : memref<!tpu.dma_semaphore, #tpu.memory_space<semaphore_mem>>
      %dma_start3A_7 = tpu.memref_slice %arg3[%mul3A_2] : memref<4096xi32, #tpu.memory_space<hbm>> -> memref<128xi32, #tpu.memory_space<hbm>>
      %dma_start3A_8 = tpu.memref_slice %arg3[%mul3A_2] : memref<4096xi32, #tpu.memory_space<hbm>> -> memref<128xi32, #tpu.memory_space<hbm>>
      tpu.enqueue_dma source(%dma_start3A_8 : memref<128xi32, #tpu.memory_space<hbm>>) target(%arg5 : memref<128xi32, #tpu.memory_space<vmem>>) target_semaphore(%run_scoped3A : memref<!tpu.dma_semaphore, #tpu.memory_space<semaphore_mem>>)
      %dma_wait3A_9 = tpu.memref_slice %arg3[%mul3A_2] : memref<4096xi32, #tpu.memory_space<hbm>> -> memref<128xi32, #tpu.memory_space<hbm>>
      %dma_wait3A_10 = tpu.memref_slice %arg3[%mul3A_2] : memref<4096xi32, #tpu.memory_space<hbm>> -> memref<128xi32, #tpu.memory_space<hbm>>
      tpu.wait_dma2 semaphore(%run_scoped3A : memref<!tpu.dma_semaphore, #tpu.memory_space<semaphore_mem>>) src(%dma_wait3A_10 : memref<128xi32, #tpu.memory_space<hbm>>) dst(%arg5 : memref<128xi32, #tpu.memory_space<vmem>>)
      tpu.yield
    }) : () -> ()
    %dma_start3A = arith.constant 0 : i32
    %dma_start3A_3 = arith.constant 0 : i32
    %dma_start3A_4 = tpu.memref_slice %arg2[%dma_start3A, %dma_start3A_3] : memref<4096x768xf32, #tpu.memory_space<hbm>> -> memref<4096x768xf32, #tpu.memory_space<hbm>>
    tpu.enqueue_indirect_dma source(%dma_start3A_4 : memref<4096x768xf32, #tpu.memory_space<hbm>>) target(%arg6 : memref<128x768xf32, #tpu.memory_space<vmem>>) offsets(%arg5 : memref<128xi32, #tpu.memory_space<vmem>>) semaphore(%arg7 : memref<!tpu.dma_semaphore, #tpu.memory_space<semaphore_mem>>)
    %dma_wait3A = arith.constant 0 : i32
    %dma_wait3A_5 = arith.constant 0 : i32
    %dma_wait3A_6 = tpu.memref_slice %arg2[%dma_wait3A, %dma_wait3A_5] : memref<4096x768xf32, #tpu.memory_space<hbm>> -> memref<4096x768xf32, #tpu.memory_space<hbm>>
    tpu.wait_indirect_dma semaphore(%arg7 : memref<!tpu.dma_semaphore, #tpu.memory_space<semaphore_mem>>) src(%dma_wait3A_6 : memref<4096x768xf32, #tpu.memory_space<hbm>>) dst(%arg6 : memref<128x768xf32, #tpu.memory_space<vmem>>)
    "tpu.region"() ({
      %run_scoped3A = tpu.sem_alloc : memref<!tpu.dma_semaphore, #tpu.memory_space<semaphore_mem>>
      %dma_start3A_7 = arith.constant 0 : i32
      %dma_start3A_8 = tpu.memref_slice %arg4[%mul3A_2, %dma_start3A_7] : memref<4096x768xf32, #tpu.memory_space<hbm>> -> memref<128x768xf32, #tpu.memory_space<hbm>>
      %dma_start3A_9 = arith.constant 0 : i32
      %dma_start3A_10 = tpu.memref_slice %arg4[%mul3A_2, %dma_start3A_9] : memref<4096x768xf32, #tpu.memory_space<hbm>> -> memref<128x768xf32, #tpu.memory_space<hbm>>
      tpu.enqueue_dma source(%arg6 : memref<128x768xf32, #tpu.memory_space<vmem>>) target(%dma_start3A_10 : memref<128x768xf32, #tpu.memory_space<hbm>>) target_semaphore(%run_scoped3A : memref<!tpu.dma_semaphore, #tpu.memory_space<semaphore_mem>>)
      %dma_wait3A_11 = arith.constant 0 : i32
      %dma_wait3A_12 = tpu.memref_slice %arg4[%mul3A_2, %dma_wait3A_11] : memref<4096x768xf32, #tpu.memory_space<hbm>> -> memref<128x768xf32, #tpu.memory_space<hbm>>
      %dma_wait3A_13 = arith.constant 0 : i32
      %dma_wait3A_14 = tpu.memref_slice %arg4[%mul3A_2, %dma_wait3A_13] : memref<4096x768xf32, #tpu.memory_space<hbm>> -> memref<128x768xf32, #tpu.memory_space<hbm>>
      tpu.wait_dma2 semaphore(%run_scoped3A : memref<!tpu.dma_semaphore, #tpu.memory_space<semaphore_mem>>) src(%arg6 : memref<128x768xf32, #tpu.memory_space<vmem>>) dst(%dma_wait3A_14 : memref<128x768xf32, #tpu.memory_space<hbm>>)
      tpu.yield
    }) : () -> ()
    return
  }
}

module attributes {stable_mosaic.version = 14 : i64} {
  func.func @_mega_kernel(%arg0: i32, %arg1: memref<4096x768xf32, #tpu.memory_space<vmem>>, %arg2: memref<16x1x256xi32, #tpu.memory_space<vmem>>, %arg3: memref<96x768xf32, #tpu.memory_space<vmem>>, %arg4: memref<1x768xf32, #tpu.memory_space<vmem>>, %arg5: memref<1x768xf32, #tpu.memory_space<vmem>>, %arg6: memref<1x1xf32, #tpu.memory_space<vmem>>, %arg7: memref<4096x768xf32, #tpu.memory_space<vmem>>, %arg8: memref<96x768xf32, #tpu.memory_space<vmem>>, %arg9: memref<1x96xf32, #tpu.memory_space<vmem>>, %arg10: memref<1x1xf32, #tpu.memory_space<smem>>, %arg11: memref<1x1xf32, #tpu.memory_space<smem>>) attributes {dimension_semantics = [#tpu.dimension_semantics<arbitrary>], iteration_bounds = array<i64: 17>, scalar_prefetch = 0 : i64, scratch_operands = 5 : i64, tpu.core_type = #tpu.core_type<tc>, window_params = [{pipeline_mode = #tpu.pipeline_mode<synchronous>, transform_indices = @transform_0, window_bounds = array<i64: 4096, 768>}, {pipeline_mode = #tpu.pipeline_mode<synchronous>, transform_indices = @transform_1, window_bounds = array<i64: 16, 1, 256>}, {pipeline_mode = #tpu.pipeline_mode<synchronous>, transform_indices = @transform_2, window_bounds = array<i64: 96, 768>}, {pipeline_mode = #tpu.pipeline_mode<synchronous>, transform_indices = @transform_3, window_bounds = array<i64: 1, 768>}, {pipeline_mode = #tpu.pipeline_mode<synchronous>, transform_indices = @transform_4, window_bounds = array<i64: 1, 768>}, {pipeline_mode = #tpu.pipeline_mode<synchronous>, transform_indices = @transform_5, window_bounds = array<i64: 1, 1>}]} {
    %eq3A = arith.constant 0 : i32
    %eq3A_0 = arith.cmpi eq, %arg0, %eq3A : i32
    %convert_element_type3A = arith.extui %eq3A_0 : i1 to i32
    %cond3A = arith.constant 0 : i32
    %cond3A_1 = arith.cmpi ne, %convert_element_type3A, %cond3A : i32
    scf.if %cond3A_1 {
      %broadcast_in_dim3A = arith.constant 0.000000e+00 : f32
      %broadcast_in_dim3A_11 = vector.broadcast %broadcast_in_dim3A : f32 to vector<96x768xf32>
      %swap3A = arith.constant 0 : index
      %swap3A_12 = arith.constant 0 : index
      %swap3A_13 = vector.load %arg8[%swap3A, %swap3A_12] : memref<96x768xf32, #tpu.memory_space<vmem>>, vector<96x768xf32>
      tpu.vector_store %arg8[%swap3A, %swap3A_12], %broadcast_in_dim3A_11 {strides = array<i32>} : memref<96x768xf32, #tpu.memory_space<vmem>>, vector<96x768xf32>,
      %broadcast_in_dim3A_14 = arith.constant 0.000000e+00 : f32
      %broadcast_in_dim3A_15 = vector.broadcast %broadcast_in_dim3A_14 : f32 to vector<1x96xf32>
      %swap3A_16 = arith.constant 0 : index
      %swap3A_17 = arith.constant 0 : index
      %swap3A_18 = vector.load %arg9[%swap3A_16, %swap3A_17] : memref<1x96xf32, #tpu.memory_space<vmem>>, vector<1x96xf32>
      tpu.vector_store %arg9[%swap3A_16, %swap3A_17], %broadcast_in_dim3A_15 {strides = array<i32>} : memref<1x96xf32, #tpu.memory_space<vmem>>, vector<1x96xf32>,
      %swap3A_19 = arith.constant 0.000000e+00 : f32
      %swap3A_20 = arith.constant 0 : index
      %swap3A_21 = arith.constant 0 : index
      %swap3A_22 = memref.load %arg10[%swap3A_20, %swap3A_21] : memref<1x1xf32, #tpu.memory_space<smem>>
      memref.store %swap3A_19, %arg10[%swap3A_20, %swap3A_21] : memref<1x1xf32, #tpu.memory_space<smem>>
      %swap3A_23 = arith.constant 0.000000e+00 : f32
      %swap3A_24 = arith.constant 0 : index
      %swap3A_25 = arith.constant 0 : index
      %swap3A_26 = memref.load %arg11[%swap3A_24, %swap3A_25] : memref<1x1xf32, #tpu.memory_space<smem>>
      memref.store %swap3A_23, %arg11[%swap3A_24, %swap3A_25] : memref<1x1xf32, #tpu.memory_space<smem>>
    } else {
    }
    %lt3A = arith.constant 16 : i32
    %lt3A_2 = arith.cmpi slt, %arg0, %lt3A : i32
    %convert_element_type3A_3 = arith.extui %lt3A_2 : i1 to i32
    %cond3A_4 = arith.constant 0 : i32
    %cond3A_5 = arith.cmpi ne, %convert_element_type3A_3, %cond3A_4 : i32
    scf.if %cond3A_5 {
      %mul3A = arith.constant 256 : i32
      %mul3A_11 = arith.muli %arg0, %mul3A : i32
      %get3A = arith.index_cast %mul3A_11 : i32 to index
      %get3A_12 = arith.constant 0 : index
      %get3A_13 = vector.load %arg1[%get3A, %get3A_12] : memref<4096x768xf32, #tpu.memory_space<vmem>>, vector<256x768xf32>
      %get3A_14 = arith.constant 0 : index
      %get3A_15 = arith.constant 0 : index
      %get3A_16 = vector.load %arg4[%get3A_14, %get3A_15] : memref<1x768xf32, #tpu.memory_space<vmem>>, vector<1x768xf32>
      %get3A_17 = arith.constant 0 : index
      %get3A_18 = arith.constant 0 : index
      %get3A_19 = vector.load %arg5[%get3A_17, %get3A_18] : memref<1x768xf32, #tpu.memory_space<vmem>>, vector<1x768xf32>
      %reduce_sum3A = arith.constant dense<0.000000e+00> : vector<256xf32>
      %reduce_sum3A_20 = vector.multi_reduction <add>, %get3A_13, %reduce_sum3A [1] : vector<256x768xf32> to vector<256xf32>
      %broadcast_in_dim3A = vector.shape_cast %reduce_sum3A_20 : vector<256xf32> to vector<256x1xf32>
      %div3A = arith.constant 7.680000e+02 : f32
      %div3A_21 = vector.broadcast %div3A : f32 to vector<256x1xf32>
      %div3A_22 = arith.divf %broadcast_in_dim3A, %div3A_21 : vector<256x1xf32>
      %sub3A = vector.broadcast %div3A_22 : vector<256x1xf32> to vector<256x768xf32>
      %sub3A_23 = arith.subf %get3A_13, %sub3A : vector<256x768xf32>
      %integer_pow3A = arith.mulf %sub3A_23, %sub3A_23 : vector<256x768xf32>
      %reduce_sum3A_24 = arith.constant dense<0.000000e+00> : vector<256xf32>
      %reduce_sum3A_25 = vector.multi_reduction <add>, %integer_pow3A, %reduce_sum3A_24 [1] : vector<256x768xf32> to vector<256xf32>
      %broadcast_in_dim3A_26 = vector.shape_cast %reduce_sum3A_25 : vector<256xf32> to vector<256x1xf32>
      %div3A_27 = arith.constant 7.680000e+02 : f32
      %div3A_28 = vector.broadcast %div3A_27 : f32 to vector<256x1xf32>
      %div3A_29 = arith.divf %broadcast_in_dim3A_26, %div3A_28 : vector<256x1xf32>
      %sub3A_30 = vector.broadcast %div3A_22 : vector<256x1xf32> to vector<256x768xf32>
      %sub3A_31 = arith.subf %get3A_13, %sub3A_30 : vector<256x768xf32>
      %add3A = arith.constant 9.99999974E-6 : f32
      %add3A_32 = vector.broadcast %add3A : f32 to vector<256x1xf32>
      %add3A_33 = arith.addf %div3A_29, %add3A_32 : vector<256x1xf32>
      %rsqrt3A = math.rsqrt %add3A_33 : vector<256x1xf32>
      %mul3A_34 = vector.broadcast %rsqrt3A : vector<256x1xf32> to vector<256x768xf32>
      %mul3A_35 = arith.mulf %sub3A_31, %mul3A_34 : vector<256x768xf32>
      %mul3A_36 = vector.broadcast %get3A_16 : vector<1x768xf32> to vector<256x768xf32>
      %mul3A_37 = arith.mulf %mul3A_35, %mul3A_36 : vector<256x768xf32>
      %add3A_38 = vector.broadcast %get3A_19 : vector<1x768xf32> to vector<256x768xf32>
      %add3A_39 = arith.addf %mul3A_37, %add3A_38 : vector<256x768xf32>
      %mul3A_40 = arith.constant 256 : i32
      %mul3A_41 = arith.muli %arg0, %mul3A_40 : i32
      %swap3A = arith.index_cast %mul3A_41 : i32 to index
      %swap3A_42 = arith.constant 0 : index
      %swap3A_43 = vector.load %arg7[%swap3A, %swap3A_42] : memref<4096x768xf32, #tpu.memory_space<vmem>>, vector<256x768xf32>
      tpu.vector_store %arg7[%swap3A, %swap3A_42], %add3A_39 {strides = array<i32>} : memref<4096x768xf32, #tpu.memory_space<vmem>>, vector<256x768xf32>,
      %get3A_44 = arith.index_cast %arg0 : i32 to index
      %get3A_45 = arith.constant 0 : index
      %get3A_46 = arith.constant 0 : index
      %get3A_47 = vector.load %arg2[%get3A_44, %get3A_45, %get3A_46] : memref<16x1x256xi32, #tpu.memory_space<vmem>>, vector<1x1x256xi32>
      %get3A_48 = vector.shape_cast %get3A_47 : vector<1x1x256xi32> to vector<256xi32>
      %iota3A = tpu.iota {dimensions = array<i32: 0>} : vector<96x256xi32>
      %broadcast_in_dim3A_49 = vector.shape_cast %get3A_48 : vector<256xi32> to vector<1x256xi32>
      %eq3A_50 = vector.broadcast %broadcast_in_dim3A_49 : vector<1x256xi32> to vector<96x256xi32>
      %eq3A_51 = arith.cmpi eq, %iota3A, %eq3A_50 : vector<96x256xi32>
      %convert_element_type3A_52 = arith.extui %eq3A_51 : vector<96x256xi1> to vector<96x256xi32>
      %convert_element_type3A_53 = arith.sitofp %convert_element_type3A_52 : vector<96x256xi32> to vector<96x256xf32>
      %get3A_54 = arith.constant 0 : index
      %get3A_55 = arith.constant 0 : index
      %get3A_56 = vector.load %arg8[%get3A_54, %get3A_55] : memref<96x768xf32, #tpu.memory_space<vmem>>, vector<96x768xf32>
      %dot_general3A = arith.constant dense<0.000000e+00> : vector<96x768xf32>
      %dot_general3A_57 = tpu.matmul %convert_element_type3A_53, %add3A_39, %dot_general3A {dimension_numbers = #tpu.dot_dimension_numbers<[1], [0], [0], [1], [0, 0, 1, 1], [], []>, transpose_lhs_hint = false} : vector<96x256xf32>, vector<256x768xf32>, vector<96x768xf32> -> vector<96x768xf32>
      %add3A_58 = arith.addf %get3A_56, %dot_general3A_57 : vector<96x768xf32>
      %swap3A_59 = arith.constant 0 : index
      %swap3A_60 = arith.constant 0 : index
      %swap3A_61 = vector.load %arg8[%swap3A_59, %swap3A_60] : memref<96x768xf32, #tpu.memory_space<vmem>>, vector<96x768xf32>
      tpu.vector_store %arg8[%swap3A_59, %swap3A_60], %add3A_58 {strides = array<i32>} : memref<96x768xf32, #tpu.memory_space<vmem>>, vector<96x768xf32>,
      %get3A_62 = arith.constant 0 : index
      %get3A_63 = arith.constant 0 : index
      %get3A_64 = vector.load %arg9[%get3A_62, %get3A_63] : memref<1x96xf32, #tpu.memory_space<vmem>>, vector<1x96xf32>
      %reduce_sum3A_65 = arith.constant dense<0.000000e+00> : vector<96xf32>
      %reduce_sum3A_66 = vector.multi_reduction <add>, %convert_element_type3A_53, %reduce_sum3A_65 [1] : vector<96x256xf32> to vector<96xf32>
      %broadcast_in_dim3A_67 = vector.shape_cast %reduce_sum3A_66 : vector<96xf32> to vector<1x96xf32>
      %add3A_68 = arith.addf %get3A_64, %broadcast_in_dim3A_67 : vector<1x96xf32>
      %swap3A_69 = arith.constant 0 : index
      %swap3A_70 = arith.constant 0 : index
      %swap3A_71 = vector.load %arg9[%swap3A_69, %swap3A_70] : memref<1x96xf32, #tpu.memory_space<vmem>>, vector<1x96xf32>
      tpu.vector_store %arg9[%swap3A_69, %swap3A_70], %add3A_68 {strides = array<i32>} : memref<1x96xf32, #tpu.memory_space<vmem>>, vector<1x96xf32>,
      %get3A_72 = arith.constant 0 : index
      %get3A_73 = arith.constant 0 : index
      %get3A_74 = vector.load %arg3[%get3A_72, %get3A_73] : memref<96x768xf32, #tpu.memory_space<vmem>>, vector<96x768xf32>
      %dot_general3A_75 = arith.constant dense<0.000000e+00> : vector<96x256xf32>
      %dot_general3A_76 = tpu.matmul %get3A_74, %add3A_39, %dot_general3A_75 {dimension_numbers = #tpu.dot_dimension_numbers<[1], [1], [0], [0], [0, 0, 1, 0], [], []>, transpose_lhs_hint = false} : vector<96x768xf32>, vector<256x768xf32>, vector<96x256xf32> -> vector<96x256xf32>
      %mul3A_77 = arith.constant 0.00130208337 : f32
      %mul3A_78 = vector.broadcast %mul3A_77 : f32 to vector<96x256xf32>
      %mul3A_79 = arith.mulf %dot_general3A_76, %mul3A_78 : vector<96x256xf32>
      %get3A_80 = arith.constant 0 : index
      %get3A_81 = arith.constant 0 : index
      %get3A_82 = memref.load %arg11[%get3A_80, %get3A_81] : memref<1x1xf32, #tpu.memory_space<smem>>
      %gt3A = arith.constant 0.000000e+00 : f32
      %gt3A_83 = vector.broadcast %gt3A : f32 to vector<96x256xf32>
      %gt3A_84 = arith.cmpf ogt, %convert_element_type3A_53, %gt3A_83 : vector<96x256xf32>
      %exp3A = math.exp %mul3A_79 : vector<96x256xf32>
      %jit3A = arith.constant 0.000000e+00 : f32
      %broadcast_in_dim3A_85 = vector.broadcast %jit3A : f32 to vector<96x256xf32>
      %select_n3A = arith.select %gt3A_84, %exp3A, %broadcast_in_dim3A_85 : vector<96x256xi1>, vector<96x256xf32>
      %reduce_sum3A_86 = vector.shape_cast %select_n3A : vector<96x256xf32> to vector<1x96x256xf32>
      %reduce_sum3A_87 = arith.constant dense<0.000000e+00> : vector<1xf32>
      %reduce_sum3A_88 = vector.multi_reduction <add>, %reduce_sum3A_86, %reduce_sum3A_87 [1, 2] : vector<1x96x256xf32> to vector<1xf32>
      %reduce_sum3A_89 = vector.shape_cast %reduce_sum3A_88 : vector<1xf32> to vector<1x1x1xf32>
      %reduce_sum3A_90 = vector.extract %reduce_sum3A_89[0, 0, 0] : f32 from vector<1x1x1xf32>
      %mul3A_91 = arith.constant 2.000000e+00 : f32
      %mul3A_92 = arith.mulf %mul3A_91, %reduce_sum3A_90 : f32
      %add3A_93 = arith.addf %get3A_82, %mul3A_92 : f32
      %swap3A_94 = arith.constant 0 : index
      %swap3A_95 = arith.constant 0 : index
      %swap3A_96 = memref.load %arg11[%swap3A_94, %swap3A_95] : memref<1x1xf32, #tpu.memory_space<smem>>
      memref.store %add3A_93, %arg11[%swap3A_94, %swap3A_95] : memref<1x1xf32, #tpu.memory_space<smem>>
      %get3A_97 = arith.constant 0 : index
      %get3A_98 = arith.constant 0 : index
      %get3A_99 = arith.constant 0 : index
      %get3A_100 = vector.load %arg2[%get3A_97, %get3A_98, %get3A_99] : memref<16x1x256xi32, #tpu.memory_space<vmem>>, vector<16x1x256xi32>
      %reduce_min3A = vector.shape_cast %get3A_48 : vector<256xi32> to vector<1x256xi32>
      %reduce_min3A_101 = arith.constant dense<2147483647> : vector<1xi32>
      %reduce_min3A_102 = vector.multi_reduction <minsi>, %reduce_min3A, %reduce_min3A_101 [1] : vector<1x256xi32> to vector<1xi32>
      %reduce_min3A_103 = vector.shape_cast %reduce_min3A_102 : vector<1xi32> to vector<1x1xi32>
      %reduce_min3A_104 = vector.extract %reduce_min3A_103[0, 0] : i32 from vector<1x1xi32>
      %lt3A_105 = vector.broadcast %reduce_min3A_104 : i32 to vector<16x1x256xi32>
      %lt3A_106 = arith.cmpi slt, %get3A_100, %lt3A_105 : vector<16x1x256xi32>
      %convert_element_type3A_107 = arith.extui %lt3A_106 : vector<16x1x256xi1> to vector<16x1x256xi32>
      %reduce_sum3A_108 = vector.shape_cast %convert_element_type3A_107 : vector<16x1x256xi32> to vector<1x16x1x256xi32>
      %reduce_sum3A_109 = arith.constant dense<0> : vector<1xi32>
      %reduce_sum3A_110 = vector.multi_reduction <add>, %reduce_sum3A_108, %reduce_sum3A_109 [1, 2, 3] : vector<1x16x1x256xi32> to vector<1xi32>
      %reduce_sum3A_111 = vector.shape_cast %reduce_sum3A_110 : vector<1xi32> to vector<1x1x1x1xi32>
      %reduce_sum3A_112 = vector.extract %reduce_sum3A_111[0, 0, 0, 0] : i32 from vector<1x1x1x1xi32>
      %jit3A_113 = arith.constant 256 : i32
      %div3A_114 = arith.divsi %reduce_sum3A_112, %jit3A_113 : i32
      %sign3A = arith.constant 0 : i32
      %sign3A_115 = arith.cmpi sgt, %reduce_sum3A_112, %sign3A : i32
      %sign3A_116 = arith.extui %sign3A_115 : i1 to i32
      %sign3A_117 = arith.constant 0 : i32
      %sign3A_118 = arith.cmpi slt, %reduce_sum3A_112, %sign3A_117 : i32
      %sign3A_119 = arith.extui %sign3A_118 : i1 to i32
      %sign3A_120 = arith.subi %sign3A_116, %sign3A_119 : i32
      %sign3A_121 = arith.constant 0 : i32
      %sign3A_122 = arith.cmpi sgt, %jit3A_113, %sign3A_121 : i32
      %sign3A_123 = arith.extui %sign3A_122 : i1 to i32
      %sign3A_124 = arith.constant 0 : i32
      %sign3A_125 = arith.cmpi slt, %jit3A_113, %sign3A_124 : i32
      %sign3A_126 = arith.extui %sign3A_125 : i1 to i32
      %sign3A_127 = arith.subi %sign3A_123, %sign3A_126 : i32
      %ne3A = arith.cmpi ne, %sign3A_120, %sign3A_127 : i32
      %rem3A = arith.remsi %reduce_sum3A_112, %jit3A_113 : i32
      %ne3A_128 = arith.constant 0 : i32
      %ne3A_129 = arith.cmpi ne, %rem3A, %ne3A_128 : i32
      %and3A = arith.andi %ne3A, %ne3A_129 : i1
      %sub3A_130 = arith.constant 1 : i32
      %sub3A_131 = arith.subi %div3A_114, %sub3A_130 : i32
      %select_n3A_132 = arith.select %and3A, %sub3A_131, %div3A_114 : i32
      %add3A_133 = arith.constant 1 : i32
      %add3A_134 = arith.addi %arg0, %add3A_133 : i32
      %while3A = arith.constant 0.000000e+00 : f32
      %while3A_135 = arith.subi %add3A_134, %select_n3A_132 : i32
      %while3A_136 = arith.addi %select_n3A_132, %while3A_135 : i32
      %while3A_137 = arith.constant 1 : i32
      %while3A_138 = arith.divsi %while3A_135, %while3A_137 : i32
      %while3A_139 = arith.muli %while3A_138, %while3A_137 : i32
      %while3A_140 = arith.addi %select_n3A_132, %while3A_139 : i32
      %while3A_141 = arith.constant 1 : i32
      %while3A_142 = scf.for %while3A_152 = %select_n3A_132 to %while3A_140 step %while3A_141 iter_args(%while3A_153 = %while3A) -> (f32)  : i32 {
        %mul3A_154 = arith.constant 256 : i32
        %mul3A_155 = arith.muli %while3A_152, %mul3A_154 : i32
        %get3A_156 = arith.index_cast %mul3A_155 : i32 to index
        %get3A_157 = arith.constant 0 : index
        %get3A_158 = vector.load %arg7[%get3A_156, %get3A_157] : memref<4096x768xf32, #tpu.memory_space<vmem>>, vector<256x768xf32>
        %dot_general3A_159 = arith.constant dense<0.000000e+00> : vector<256x256xf32>
        %dot_general3A_160 = tpu.matmul %add3A_39, %get3A_158, %dot_general3A_159 {dimension_numbers = #tpu.dot_dimension_numbers<[1], [1], [0], [0], [0, 0, 1, 0], [], []>, transpose_lhs_hint = false} : vector<256x768xf32>, vector<256x768xf32>, vector<256x256xf32> -> vector<256x256xf32>
        %mul3A_161 = arith.constant 0.00130208337 : f32
        %mul3A_162 = vector.broadcast %mul3A_161 : f32 to vector<256x256xf32>
        %mul3A_163 = arith.mulf %dot_general3A_160, %mul3A_162 : vector<256x256xf32>
        %get3A_164 = arith.index_cast %while3A_152 : i32 to index
        %get3A_165 = arith.constant 0 : index
        %get3A_166 = arith.constant 0 : index
        %get3A_167 = vector.load %arg2[%get3A_164, %get3A_165, %get3A_166] : memref<16x1x256xi32, #tpu.memory_space<vmem>>, vector<1x1x256xi32>
        %get3A_168 = vector.shape_cast %get3A_167 : vector<1x1x256xi32> to vector<256xi32>
        %broadcast_in_dim3A_169 = vector.shape_cast %get3A_48 : vector<256xi32> to vector<256x1xi32>
        %broadcast_in_dim3A_170 = vector.shape_cast %get3A_168 : vector<256xi32> to vector<1x256xi32>
        %eq3A_171 = vector.broadcast %broadcast_in_dim3A_169 : vector<256x1xi32> to vector<256x256xi32>
        %eq3A_172 = vector.broadcast %broadcast_in_dim3A_170 : vector<1x256xi32> to vector<256x256xi32>
        %eq3A_173 = arith.cmpi eq, %eq3A_171, %eq3A_172 : vector<256x256xi32>
        %eq3A_174 = arith.cmpi eq, %while3A_152, %arg0 : i32
        %jit3A_175 = arith.constant 1.000000e+00 : f32
        %jit3A_176 = arith.constant 2.000000e+00 : f32
        %select_n3A_177 = arith.select %eq3A_174, %jit3A_175, %jit3A_176 : f32
        %exp3A_178 = math.exp %mul3A_163 : vector<256x256xf32>
        %jit3A_179 = arith.constant 0.000000e+00 : f32
        %broadcast_in_dim3A_180 = vector.broadcast %jit3A_179 : f32 to vector<256x256xf32>
        %select_n3A_181 = arith.select %eq3A_173, %exp3A_178, %broadcast_in_dim3A_180 : vector<256x256xi1>, vector<256x256xf32>
        %reduce_sum3A_182 = vector.shape_cast %select_n3A_181 : vector<256x256xf32> to vector<1x256x256xf32>
        %reduce_sum3A_183 = arith.constant dense<0.000000e+00> : vector<1xf32>
        %reduce_sum3A_184 = vector.multi_reduction <add>, %reduce_sum3A_182, %reduce_sum3A_183 [1, 2] : vector<1x256x256xf32> to vector<1xf32>
        %reduce_sum3A_185 = vector.shape_cast %reduce_sum3A_184 : vector<1xf32> to vector<1x1x1xf32>
        %reduce_sum3A_186 = vector.extract %reduce_sum3A_185[0, 0, 0] : f32 from vector<1x1x1xf32>
        %mul3A_187 = arith.mulf %select_n3A_177, %reduce_sum3A_186 : f32
        %add3A_188 = arith.addf %while3A_153, %mul3A_187 : f32
        scf.yield %add3A_188 : f32
      }
      %while3A_143 = arith.constant 1 : i32
      %while3A_144 = scf.for %while3A_152 = %while3A_140 to %while3A_136 step %while3A_143 iter_args(%while3A_153 = %while3A_142) -> (f32)  : i32 {
        %mul3A_154 = arith.constant 256 : i32
        %mul3A_155 = arith.muli %while3A_152, %mul3A_154 : i32
        %get3A_156 = arith.index_cast %mul3A_155 : i32 to index
        %get3A_157 = arith.constant 0 : index
        %get3A_158 = vector.load %arg7[%get3A_156, %get3A_157] : memref<4096x768xf32, #tpu.memory_space<vmem>>, vector<256x768xf32>
        %dot_general3A_159 = arith.constant dense<0.000000e+00> : vector<256x256xf32>
        %dot_general3A_160 = tpu.matmul %add3A_39, %get3A_158, %dot_general3A_159 {dimension_numbers = #tpu.dot_dimension_numbers<[1], [1], [0], [0], [0, 0, 1, 0], [], []>, transpose_lhs_hint = false} : vector<256x768xf32>, vector<256x768xf32>, vector<256x256xf32> -> vector<256x256xf32>
        %mul3A_161 = arith.constant 0.00130208337 : f32
        %mul3A_162 = vector.broadcast %mul3A_161 : f32 to vector<256x256xf32>
        %mul3A_163 = arith.mulf %dot_general3A_160, %mul3A_162 : vector<256x256xf32>
        %get3A_164 = arith.index_cast %while3A_152 : i32 to index
        %get3A_165 = arith.constant 0 : index
        %get3A_166 = arith.constant 0 : index
        %get3A_167 = vector.load %arg2[%get3A_164, %get3A_165, %get3A_166] : memref<16x1x256xi32, #tpu.memory_space<vmem>>, vector<1x1x256xi32>
        %get3A_168 = vector.shape_cast %get3A_167 : vector<1x1x256xi32> to vector<256xi32>
        %broadcast_in_dim3A_169 = vector.shape_cast %get3A_48 : vector<256xi32> to vector<256x1xi32>
        %broadcast_in_dim3A_170 = vector.shape_cast %get3A_168 : vector<256xi32> to vector<1x256xi32>
        %eq3A_171 = vector.broadcast %broadcast_in_dim3A_169 : vector<256x1xi32> to vector<256x256xi32>
        %eq3A_172 = vector.broadcast %broadcast_in_dim3A_170 : vector<1x256xi32> to vector<256x256xi32>
        %eq3A_173 = arith.cmpi eq, %eq3A_171, %eq3A_172 : vector<256x256xi32>
        %eq3A_174 = arith.cmpi eq, %while3A_152, %arg0 : i32
        %jit3A_175 = arith.constant 1.000000e+00 : f32
        %jit3A_176 = arith.constant 2.000000e+00 : f32
        %select_n3A_177 = arith.select %eq3A_174, %jit3A_175, %jit3A_176 : f32
        %exp3A_178 = math.exp %mul3A_163 : vector<256x256xf32>
        %jit3A_179 = arith.constant 0.000000e+00 : f32
        %broadcast_in_dim3A_180 = vector.broadcast %jit3A_179 : f32 to vector<256x256xf32>
        %select_n3A_181 = arith.select %eq3A_173, %exp3A_178, %broadcast_in_dim3A_180 : vector<256x256xi1>, vector<256x256xf32>
        %reduce_sum3A_182 = vector.shape_cast %select_n3A_181 : vector<256x256xf32> to vector<1x256x256xf32>
        %reduce_sum3A_183 = arith.constant dense<0.000000e+00> : vector<1xf32>
        %reduce_sum3A_184 = vector.multi_reduction <add>, %reduce_sum3A_182, %reduce_sum3A_183 [1, 2] : vector<1x256x256xf32> to vector<1xf32>
        %reduce_sum3A_185 = vector.shape_cast %reduce_sum3A_184 : vector<1xf32> to vector<1x1x1xf32>
        %reduce_sum3A_186 = vector.extract %reduce_sum3A_185[0, 0, 0] : f32 from vector<1x1x1xf32>
        %mul3A_187 = arith.mulf %select_n3A_177, %reduce_sum3A_186 : f32
        %add3A_188 = arith.addf %while3A_153, %mul3A_187 : f32
        scf.yield %add3A_188 : f32
      }
      %get3A_145 = arith.constant 0 : index
      %get3A_146 = arith.constant 0 : index
      %get3A_147 = memref.load %arg10[%get3A_145, %get3A_146] : memref<1x1xf32, #tpu.memory_space<smem>>
      %add3A_148 = arith.addf %get3A_147, %while3A_144 : f32
      %swap3A_149 = arith.constant 0 : index
      %swap3A_150 = arith.constant 0 : index
      %swap3A_151 = memref.load %arg10[%swap3A_149, %swap3A_150] : memref<1x1xf32, #tpu.memory_space<smem>>
      memref.store %add3A_148, %arg10[%swap3A_149, %swap3A_150] : memref<1x1xf32, #tpu.memory_space<smem>>
    } else {
    }
    %eq3A_6 = arith.constant 16 : i32
    %eq3A_7 = arith.cmpi eq, %arg0, %eq3A_6 : i32
    %convert_element_type3A_8 = arith.extui %eq3A_7 : i1 to i32
    %cond3A_9 = arith.constant 0 : i32
    %cond3A_10 = arith.cmpi ne, %convert_element_type3A_8, %cond3A_9 : i32
    scf.if %cond3A_10 {
      %get3A = arith.constant 0 : index
      %get3A_11 = arith.constant 0 : index
      %get3A_12 = vector.load %arg3[%get3A, %get3A_11] : memref<96x768xf32, #tpu.memory_space<vmem>>, vector<96x768xf32>
      %mul3A = arith.mulf %get3A_12, %get3A_12 : vector<96x768xf32>
      %reduce_sum3A = arith.constant dense<0.000000e+00> : vector<96xf32>
      %reduce_sum3A_13 = vector.multi_reduction <add>, %mul3A, %reduce_sum3A [1] : vector<96x768xf32> to vector<96xf32>
      %mul3A_14 = arith.constant 0.00130208337 : f32
      %mul3A_15 = vector.broadcast %mul3A_14 : f32 to vector<96xf32>
      %mul3A_16 = arith.mulf %reduce_sum3A_13, %mul3A_15 : vector<96xf32>
      %exp3A = math.exp %mul3A_16 : vector<96xf32>
      %reduce_sum3A_17 = vector.shape_cast %exp3A : vector<96xf32> to vector<1x96xf32>
      %reduce_sum3A_18 = arith.constant dense<0.000000e+00> : vector<1xf32>
      %reduce_sum3A_19 = vector.multi_reduction <add>, %reduce_sum3A_17, %reduce_sum3A_18 [1] : vector<1x96xf32> to vector<1xf32>
      %reduce_sum3A_20 = vector.shape_cast %reduce_sum3A_19 : vector<1xf32> to vector<1x1xf32>
      %reduce_sum3A_21 = vector.extract %reduce_sum3A_20[0, 0] : f32 from vector<1x1xf32>
      %get3A_22 = arith.constant 0 : index
      %get3A_23 = arith.constant 0 : index
      %get3A_24 = vector.load %arg9[%get3A_22, %get3A_23] : memref<1x96xf32, #tpu.memory_space<vmem>>, vector<1x96xf32>
      %get3A_25 = vector.shape_cast %get3A_24 : vector<1x96xf32> to vector<96xf32>
      %get3A_26 = arith.constant 0 : index
      %get3A_27 = arith.constant 0 : index
      %get3A_28 = vector.load %arg8[%get3A_26, %get3A_27] : memref<96x768xf32, #tpu.memory_space<vmem>>, vector<96x768xf32>
      %add3A = arith.addf %get3A_12, %get3A_28 : vector<96x768xf32>
      %add3A_29 = arith.constant 1.000000e+00 : f32
      %add3A_30 = vector.broadcast %add3A_29 : f32 to vector<96xf32>
      %add3A_31 = arith.addf %add3A_30, %get3A_25 : vector<96xf32>
      %broadcast_in_dim3A = vector.shape_cast %add3A_31 : vector<96xf32> to vector<96x1xf32>
      %div3A = vector.broadcast %broadcast_in_dim3A : vector<96x1xf32> to vector<96x768xf32>
      %div3A_32 = arith.divf %add3A, %div3A : vector<96x768xf32>
      %mul3A_33 = arith.constant 1.000000e-01 : f32
      %mul3A_34 = vector.broadcast %mul3A_33 : f32 to vector<96x768xf32>
      %mul3A_35 = arith.mulf %mul3A_34, %div3A_32 : vector<96x768xf32>
      %add3A_36 = arith.addf %get3A_12, %mul3A_35 : vector<96x768xf32>
      %iota3A = tpu.iota {dimensions = array<i32: 0>} : vector<96x1xi32>
      %eq3A_37 = arith.constant 0 : i32
      %eq3A_38 = vector.broadcast %eq3A_37 : i32 to vector<96x1xi32>
      %eq3A_39 = arith.cmpi eq, %iota3A, %eq3A_38 : vector<96x1xi32>
      %broadcast_in_dim3A_40 = vector.shape_cast %eq3A_39 : vector<96x1xi1> to vector<96x1xi1>
      %broadcast_in_dim3A_41 = vector.broadcast %broadcast_in_dim3A_40 : vector<96x1xi1> to vector<96x768xi1>
      %select_n3A = arith.select %broadcast_in_dim3A_41, %get3A_12, %add3A_36 : vector<96x768xi1>, vector<96x768xf32>
      %get3A_42 = arith.constant 0 : index
      %get3A_43 = arith.constant 0 : index
      %get3A_44 = vector.load %arg4[%get3A_42, %get3A_43] : memref<1x768xf32, #tpu.memory_space<vmem>>, vector<1x768xf32>
      %get3A_45 = arith.constant 0 : index
      %get3A_46 = arith.constant 0 : index
      %get3A_47 = vector.load %arg5[%get3A_45, %get3A_46] : memref<1x768xf32, #tpu.memory_space<vmem>>, vector<1x768xf32>
      %reduce_sum3A_48 = arith.constant dense<0.000000e+00> : vector<96xf32>
      %reduce_sum3A_49 = vector.multi_reduction <add>, %select_n3A, %reduce_sum3A_48 [1] : vector<96x768xf32> to vector<96xf32>
      %broadcast_in_dim3A_50 = vector.shape_cast %reduce_sum3A_49 : vector<96xf32> to vector<96x1xf32>
      %div3A_51 = arith.constant 7.680000e+02 : f32
      %div3A_52 = vector.broadcast %div3A_51 : f32 to vector<96x1xf32>
      %div3A_53 = arith.divf %broadcast_in_dim3A_50, %div3A_52 : vector<96x1xf32>
      %sub3A = vector.broadcast %div3A_53 : vector<96x1xf32> to vector<96x768xf32>
      %sub3A_54 = arith.subf %select_n3A, %sub3A : vector<96x768xf32>
      %integer_pow3A = arith.mulf %sub3A_54, %sub3A_54 : vector<96x768xf32>
      %reduce_sum3A_55 = arith.constant dense<0.000000e+00> : vector<96xf32>
      %reduce_sum3A_56 = vector.multi_reduction <add>, %integer_pow3A, %reduce_sum3A_55 [1] : vector<96x768xf32> to vector<96xf32>
      %broadcast_in_dim3A_57 = vector.shape_cast %reduce_sum3A_56 : vector<96xf32> to vector<96x1xf32>
      %div3A_58 = arith.constant 7.680000e+02 : f32
      %div3A_59 = vector.broadcast %div3A_58 : f32 to vector<96x1xf32>
      %div3A_60 = arith.divf %broadcast_in_dim3A_57, %div3A_59 : vector<96x1xf32>
      %sub3A_61 = vector.broadcast %div3A_53 : vector<96x1xf32> to vector<96x768xf32>
      %sub3A_62 = arith.subf %select_n3A, %sub3A_61 : vector<96x768xf32>
      %add3A_63 = arith.constant 9.99999974E-6 : f32
      %add3A_64 = vector.broadcast %add3A_63 : f32 to vector<96x1xf32>
      %add3A_65 = arith.addf %div3A_60, %add3A_64 : vector<96x1xf32>
      %rsqrt3A = math.rsqrt %add3A_65 : vector<96x1xf32>
      %mul3A_66 = vector.broadcast %rsqrt3A : vector<96x1xf32> to vector<96x768xf32>
      %mul3A_67 = arith.mulf %sub3A_62, %mul3A_66 : vector<96x768xf32>
      %mul3A_68 = vector.broadcast %get3A_44 : vector<1x768xf32> to vector<96x768xf32>
      %mul3A_69 = arith.mulf %mul3A_67, %mul3A_68 : vector<96x768xf32>
      %add3A_70 = vector.broadcast %get3A_47 : vector<1x768xf32> to vector<96x768xf32>
      %add3A_71 = arith.addf %mul3A_69, %add3A_70 : vector<96x768xf32>
      %dot_general3A = arith.constant dense<0.000000e+00> : vector<96x96xf32>
      %dot_general3A_72 = tpu.matmul %add3A_71, %add3A_71, %dot_general3A {dimension_numbers = #tpu.dot_dimension_numbers<[1], [1], [0], [0], [0, 0, 1, 0], [], []>, transpose_lhs_hint = false} : vector<96x768xf32>, vector<96x768xf32>, vector<96x96xf32> -> vector<96x96xf32>
      %mul3A_73 = arith.constant 0.00130208337 : f32
      %mul3A_74 = vector.broadcast %mul3A_73 : f32 to vector<96x96xf32>
      %mul3A_75 = arith.mulf %dot_general3A_72, %mul3A_74 : vector<96x96xf32>
      %iota3A_76 = tpu.iota {dimensions = array<i32: 0>} : vector<96x96xi32>
      %iota3A_77 = tpu.iota {dimensions = array<i32: 1>} : vector<96x96xi32>
      %gt3A = arith.constant 0 : i32
      %gt3A_78 = vector.broadcast %gt3A : i32 to vector<96x96xi32>
      %gt3A_79 = arith.cmpi sgt, %iota3A_76, %gt3A_78 : vector<96x96xi32>
      %gt3A_80 = arith.constant 0 : i32
      %gt3A_81 = vector.broadcast %gt3A_80 : i32 to vector<96x96xi32>
      %gt3A_82 = arith.cmpi sgt, %iota3A_77, %gt3A_81 : vector<96x96xi32>
      %and3A = arith.andi %gt3A_79, %gt3A_82 : vector<96x96xi1>
      %exp3A_83 = math.exp %mul3A_75 : vector<96x96xf32>
      %jit3A = arith.constant 0.000000e+00 : f32
      %broadcast_in_dim3A_84 = vector.broadcast %jit3A : f32 to vector<96x96xf32>
      %select_n3A_85 = arith.select %and3A, %exp3A_83, %broadcast_in_dim3A_84 : vector<96x96xi1>, vector<96x96xf32>
      %reduce_sum3A_86 = vector.shape_cast %select_n3A_85 : vector<96x96xf32> to vector<1x96x96xf32>
      %reduce_sum3A_87 = arith.constant dense<0.000000e+00> : vector<1xf32>
      %reduce_sum3A_88 = vector.multi_reduction <add>, %reduce_sum3A_86, %reduce_sum3A_87 [1, 2] : vector<1x96x96xf32> to vector<1xf32>
      %reduce_sum3A_89 = vector.shape_cast %reduce_sum3A_88 : vector<1xf32> to vector<1x1x1xf32>
      %reduce_sum3A_90 = vector.extract %reduce_sum3A_89[0, 0, 0] : f32 from vector<1x1x1xf32>
      %get3A_91 = arith.constant 0 : index
      %get3A_92 = arith.constant 0 : index
      %get3A_93 = memref.load %arg10[%get3A_91, %get3A_92] : memref<1x1xf32, #tpu.memory_space<smem>>
      %get3A_94 = arith.constant 0 : index
      %get3A_95 = arith.constant 0 : index
      %get3A_96 = memref.load %arg11[%get3A_94, %get3A_95] : memref<1x1xf32, #tpu.memory_space<smem>>
      %add3A_97 = arith.addf %get3A_93, %get3A_96 : f32
      %add3A_98 = arith.addf %add3A_97, %reduce_sum3A_21 : f32
      %div3A_99 = arith.divf %add3A_98, %reduce_sum3A_90 : f32
      %log3A = math.log %div3A_99 : f32
      %neg3A = arith.constant 0.000000e+00 : f32
      %neg3A_100 = arith.subf %neg3A, %log3A : f32
      %reshape3A = vector.broadcast %neg3A_100 : f32 to vector<1x1xf32>
      %swap3A = arith.constant 0 : index
      %swap3A_101 = arith.constant 0 : index
      %swap3A_102 = vector.load %arg6[%swap3A, %swap3A_101] : memref<1x1xf32, #tpu.memory_space<vmem>>, vector<1x1xf32>
      tpu.vector_store %arg6[%swap3A, %swap3A_101], %reshape3A {strides = array<i32>} : memref<1x1xf32, #tpu.memory_space<vmem>>, vector<1x1xf32>,
    } else {
    }
    return
  }
  func.func @transform_0(%arg0: i32) -> (i32, i32) {
    %c0_i32 = arith.constant 0 : i32
    %c0_i32_0 = arith.constant 0 : i32
    %c0_i32_1 = arith.constant 0 : i32
    return %c0_i32, %c0_i32_0 : i32, i32
  }
  func.func @transform_1(%arg0: i32) -> (i32, i32, i32) {
    %c0_i32 = arith.constant 0 : i32
    %c0_i32_0 = arith.constant 0 : i32
    %c0_i32_1 = arith.constant 0 : i32
    %c0_i32_2 = arith.constant 0 : i32
    return %c0_i32, %c0_i32_0, %c0_i32_1 : i32, i32, i32
  }
  func.func @transform_2(%arg0: i32) -> (i32, i32) {
    %c0_i32 = arith.constant 0 : i32
    %c0_i32_0 = arith.constant 0 : i32
    %c0_i32_1 = arith.constant 0 : i32
    return %c0_i32, %c0_i32_0 : i32, i32
  }
  func.func @transform_3(%arg0: i32) -> (i32, i32) {
    %c0_i32 = arith.constant 0 : i32
    %c0_i32_0 = arith.constant 0 : i32
    %c0_i32_1 = arith.constant 0 : i32
    return %c0_i32, %c0_i32_0 : i32, i32
  }
  func.func @transform_4(%arg0: i32) -> (i32, i32) {
    %c0_i32 = arith.constant 0 : i32
    %c0_i32_0 = arith.constant 0 : i32
    %c0_i32_1 = arith.constant 0 : i32
    return %c0_i32, %c0_i32_0 : i32, i32
  }
  func.func @transform_5(%arg0: i32) -> (i32, i32) {
    %c0_i32 = arith.constant 0 : i32
    %c0_i32_0 = arith.constant 0 : i32
    %c0_i32_1 = arith.constant 0 : i32
    return %c0_i32, %c0_i32_0 : i32, i32
  }
}

</mosaic_0001>

<sc_bundles>
// kernel: kernel.4.cloned.1.call-start
scs
__scs_entry_jumppad:
0x0: {  	(pc) =	sbr.rel $0x88, $3  }
0x1: {  	(tag) =	ssettag $0x0;
	lr =	simm.s32 $0x1  }
0x2: {  	[smem:$0x3F9C] =	sst lr;
	_ =	strace $0xD0000000  }
0x3: {  	_ = 	snop  }
0x4: {  	_ = 	snop  }
0x5: {  	_ = 	snop  }
0x6: {  	_ = 	snop  }
0x7: {  	_ = 	snop  }
__scs_overlays_trampoline_lowered:
0x8: {  	[smem:$0x3FAB] =	sst s0  }
0x9: {  	[smem:$0x3FAC] =	sst s1  }
0xa: {  	[smem:$0x3FAD] =	sst s2  }
0xb: {  	[smem:$0x3FAE] =	sst s3  }
0xc: {  	[smem:$0x3FAF] =	sst s4  }
0xd: {  	[smem:$0x3FB0] =	sst s5  }
0xe: {  	[smem:$0x3FB1] =	sst s6  }
0xf: {  	[smem:$0x3FB2] =	sst s7  }
0x10: {  	[smem:$0x3FB3] =	sst s8  }
0x11: {  	[smem:$0x3FB4] =	sst s9;
	s0 =	simm.s32 @!p0 $0x0  }
0x12: {  	s1 =	sld [smem:$0x3F9A];
	s0 =	simm.s32 @p0 $0x1  }
0x13: {  	[smem:$0x3FB5] =	sst s0;
	s0 =	simm.s32 @!p1 $0x0  }
0x14: {  	s2 =	sld [smem:$0x3F99];
	s0 =	simm.s32 @p1 $0x1  }
0x15: {  	[smem:$0x3FB6] =	sst s0;
	s0 =	simm.s32 @!p2 $0x0  }
0x16: {  	s3 =	sld [smem:$0x3FDB];
	s0 =	simm.s32 @p2 $0x1  }
0x17: {  	s4 =	simm.s32 $0x1BF5;
	[smem:$0x3FB8] =	sst s0  }
0x18: {  	s0 =	sld [smem:$0x3F9B];
	_ =	swait.ge [sflag:s4], $0x0  }
0x19: {  	s7 =	sld [smem:$0x3F9C]  }
0x1a: {  	s8 =	sadd.s32 $0xFFFFE003, lr  }
0x1b: {  	s9 =	sadd.s32 $0xFFFFFEF7, lr;
	s5 =	simm.s32 $0xFFFFFFFF;
	p2 =	slt.u32 s8, $0xFFFFF086  }
0x1c: {  	p1 =	slt.u32 s9, $0xF7A;
	s5 =	simm.s32 @!p2 $0x0  }
0x1d: {  	s5 =	simm.s32 @p1 $0x1;
	p0 =	seq.s32 s7, s2  }
0x1e: {  	s7 =	smul.u32 @!p0 $0xF7A, s2;
	p2 =	seq.s32 @!p0 s5, $0x0  }
0x1f: {  	s9 =	smul.u32 $0xF7A, s1;
	s8 =	simm.s32 @!p0 $0x1BF5;
	p2 =	por !p2, p0  }
0x20: {  	[sflag:s8] =	ssyncset.s32 @!p0 $0xFFFFF086;
	s6 =	sadd.s32 @!p0 s3, s7;
	s7 =	simm.s32 @!p0 $0x108  }
0x21: {  	s3 =	sadd.s32 s3, s9;
	s6 =	sadd.s32 @!p0 $0x88, s6;
	s7 =	simm.s32 @p2 $0x1082  }
0x22: {  	[simem:s7], [sflag:s8] =	dma.local @!p0 [hbm:s6], $0xF7A  }
0x23: {  	s9 =	sor.u32 $0xD0000000, s2;
	s6 =	simm.s32 $0x108;
	_ =	swait.ge @!p0 [sflag:s8], $0x0  }
0x24: {  	s3 =	sadd.s32 $0x88, s3;
	s6 =	simm.s32 @!p1 $0x1082;
	[sflag:s4] =	ssyncset.s32 $0xFFFFF086  }
0x25: {  	[simem:s6], [sflag:s4] =	dma.local [hbm:s3], $0xF7A  }
0x26: {  	[smem:$0x3F9C] =	sst s1;
	(tag) =	ssettag s2;
	_ =	strace s9  }
0x27: {  	s1 =	sld [smem:$0x3FAC]  }
0x28: {  	s2 =	sld [smem:$0x3FAD]  }
0x29: {  	s4 =	sld [smem:$0x3FAF]  }
0x2a: {  	p0 =	seq.s32 s5, $0x0;
	s5 =	sld [smem:$0x3FB0]  }
0x2b: {  	s6 =	sld [smem:$0x3FB1]  }
0x2c: {  	s7 =	sld [smem:$0x3FB2]  }
0x2d: {  	s3 =	simm.s32 $0x108;
	s8 =	sld [smem:$0x3FB3]  }
0x2e: {  	s3 =	simm.s32 @!p0 $0x1082;
	s9 =	sld [smem:$0x3FB4]  }
0x2f: {  	lr =	sadd.s32 s0, s3;
	s0 =	sld [smem:$0x3FAB]  }
0x30: {  	s3 =	sld [smem:$0x3FAE]  }
0x31: {  	[smem:$0x3FB7] =	sst s10  }
0x32: {  	s10 =	sld [smem:$0x3FB5];
	_ =	sdelay $0x3  }
0x33: {  	p0 =	seq.s32 s10, $0x1;
	s10 =	sld [smem:$0x3FB7];
	_ =	sdelay $0x3  }
0x34: {  	[smem:$0x3FB7] =	sst s10  }
0x35: {  	s10 =	sld [smem:$0x3FB6];
	_ =	sdelay $0x3  }
0x36: {  	p1 =	seq.s32 s10, $0x1;
	s10 =	sld [smem:$0x3FB7];
	_ =	sdelay $0x3  }
0x37: {  	[smem:$0x3FB7] =	sst s10  }
0x38: {  	s10 =	sld [smem:$0x3FB8]  }
0x39: {  	_ = 	snop;
	(pc) =	sbr.ind lr, $3  }
0x3a: {  	_ = 	snop  }
0x3b: {  	_ = 	snop  }
0x3c: {  	p2 =	seq.s32 s10, $0x1;
	s10 =	sld [smem:$0x3FB7]  }
0x3d: {  	_ =	shalt  }
0x3e: {  	_ =	shalt  }
0x3f: {  	_ =	shalt  }
0x40: {  	_ =	shalt  }
0x41: {  	_ =	shalt  }
0x42: {  	_ =	shalt  }
0x43: {  	_ =	shalt  }
0x44: {  	_ =	shalt  }
0x45: {  	_ =	shalt  }
0x46: {  	_ =	shalt  }
0x47: {  	_ =	shalt  }
0x48: {  	_ =	shalt  }
0x49: {  	_ =	shalt  }
0x4a: {  	_ =	shalt  }
0x4b: {  	_ =	shalt  }
0x4c: {  	_ =	shalt  }
0x4d: {  	_ =	shalt  }
0x4e: {  	_ =	shalt  }
0x4f: {  	_ =	shalt  }
0x50: {  	_ =	shalt  }
0x51: {  	_ =	shalt  }
0x52: {  	_ =	shalt  }
0x53: {  	_ =	shalt  }
0x54: {  	_ =	shalt  }
0x55: {  	_ =	shalt  }
0x56: {  	_ =	shalt  }
0x57: {  	_ =	shalt  }
0x58: {  	_ =	shalt  }
0x59: {  	_ =	shalt  }
0x5a: {  	_ =	shalt  }
0x5b: {  	_ =	shalt  }
0x5c: {  	_ =	shalt  }
0x5d: {  	_ =	shalt  }
0x5e: {  	_ =	shalt  }
0x5f: {  	_ =	shalt  }
0x60: {  	_ =	shalt  }
0x61: {  	_ =	shalt  }
0x62: {  	_ =	shalt  }
0x63: {  	_ =	shalt  }
0x64: {  	_ =	shalt  }
0x65: {  	_ =	shalt  }
0x66: {  	_ =	shalt  }
0x67: {  	_ =	shalt  }
0x68: {  	_ =	shalt  }
0x69: {  	_ =	shalt  }
0x6a: {  	_ =	shalt  }
0x6b: {  	_ =	shalt  }
0x6c: {  	_ =	shalt  }
0x6d: {  	_ =	shalt  }
0x6e: {  	_ =	shalt  }
0x6f: {  	_ =	shalt  }
0x70: {  	_ =	shalt  }
0x71: {  	_ =	shalt  }
0x72: {  	_ =	shalt  }
0x73: {  	_ =	shalt  }
0x74: {  	_ =	shalt  }
0x75: {  	_ =	shalt  }
0x76: {  	_ =	shalt  }
0x77: {  	_ =	shalt  }
0x78: {  	_ =	shalt  }
0x79: {  	_ =	shalt  }
0x7a: {  	_ =	shalt  }
0x7b: {  	_ =	shalt  }
0x7c: {  	_ =	shalt  }
0x7d: {  	_ =	shalt  }
0x7e: {  	_ =	shalt  }
0x7f: {  	_ =	shalt  }
0x80: {  	_ =	shalt  }
0x81: {  	_ =	shalt  }
0x82: {  	_ =	shalt  }
0x83: {  	_ =	shalt  }
0x84: {  	_ =	shalt  }
0x85: {  	_ =	shalt  }
0x86: {  	_ =	shalt  }
0x87: {  	_ =	shalt  }
.Lfunc_end0:
.L_simem_size_0:
called_computation_lowered:
.L_overlay_start_0:
0x88: {  	s2 =	sld [smem:$0x3FD9]  }
0x89: {  	s3 =	sld [smem:$0x3FFE];
	_ =	sdelay $0x1  }
0x8a: {  	s1 =	srdreg.scid  }
0x8b: {  	s0 =	sand.u32 $0x1, s1  }
0x8c: {  	s17 =	sshll.u32 s0, $0xA;
	s2 =	sadd.s32 s3, s2  }
0x8d: {  	s2 =	sadd.s32 s2, s17  }
0x8e: {  	[smem:$0x3FC3] =	sst s2  }
0x8f: {  	_ = 	snop  }
0x90: {  	s2 =	sld [smem:$0x3FC9];
	(tm) =	ssettm $0x1  }
0x91: {  	s18 =	sld [smem:$0x3FFB];
	_ =	sdelay $0x3  }
0x92: {  	_ =	strace s18  }
0x93: {  	s3 =	sld [smem:$0x3FFC];
	_ =	sdelay $0x3  }
0x94: {  	_ =	strace s3  }
0x95: {  	s3 =	sld [smem:$0x3FFD];
	_ =	sdelay $0x3  }
0x96: {  	_ =	strace s3  }
0x97: {  	_ =	strace $0x8FFFFFFF  }
0x98: {  	s19 =	sld [smem:$0x3FDB];
	_ =	sdelay $0x1  }
0x99: {  	s4 =	simm.s32 $_scs_section_size  }
0x9a: {  	s5 =	simm.s32 $_size__tile_overlayer_lowered;
	s6 =	simm.s32 $_tile_overlayer_lowered  }
0x9b: {  	s22 =	simm.s32 $0x1BFF;
	s21 =	sshll.u32 s6, $0x1;
	s3 =	sadd.s32 s4, s19  }
0x9c: {  	s7 =	simm.s32 $0x0;
	s20 =	sshll.u32 s5, $0x1;
	s5 =	sadd.s32 s21, s3  }
0x9d: {  	[timem:s7], [sflag:s22] =	dma.local [hbm:s5], s20  }
0x9e: {  	_ =	swait.ge [sflag:s22], s20  }
0x9f: {  	s4 =	ssub.s32 $0x0, s20;
	[sflag:s22] =	ssyncset.done $0x0  }
0xa0: {  	[sflag:s22] =	ssyncadd.s32 s4;
	_ =	sdelay $0x1  }
0xa1: {  	s23 =	simm.s32 $0x1B8B  }
0xa2: {  	_ =	swait.ge [sflag:s23], $0x1  }
0xa3: {  	[sflag:s23] =	ssyncset.done $0x0  }
0xa4: {  	s25 =	simm.s32 $0x1B8E;
	s24 =	sld [smem:$0x3FFE];
	[sflag:s23] =	ssyncadd.s32 $0xFFFFFFFF  }
0xa5: {  	s26 =	simm.s32 $execute0_lowered;
	[smem:$0x3FD2] =	sst s25  }
0xa6: {  	s5 =	sshll.u32 s26, $0x1;
	_ =	strace $0x80000046;
	[dreg:$0x1] =	wrdreg $0xFFFFFFFF  }
0xa7: {  	s28 =	simm.s32 $_size_execute0_lowered;
	s3 =	sadd.s32 s3, s5;
	[dreg:$0x0] =	wrdreg $0x0  }
0xa8: {  	s5 =	sshll.u32 s28, $0x1;
	[dreg:$0x2] =	wrdreg s3  }
0xa9: {  	[dreg:$0x3] =	wrdreg s5  }
0xaa: {  	[dreg:$0x4] =	wrdreg $0xC0  }
0xab: {  	_ =	task [dreg:s7], $0x5FFFF  }
0xac: {  	[dreg:$0x1] =	wrdreg $0xFFFFFFFF  }
0xad: {  	[dreg:$0x0] =	wrdreg $0x60  }
0xae: {  	[dreg:$0x2] =	wrdreg s2  }
0xaf: {  	[dreg:$0x3] =	wrdreg s24  }
0xb0: {  	[dreg:$0x4] =	wrdreg $0x9  }
0xb1: {  	_ =	task.clear_ibuf [dreg:s7], $0x5FFFF;
	_ =	strace $0x90000046  }
0xb2: {  	s29 =	simm.s32 $0x9;
	_ =	strace $0x80000048  }
0xb3: {  	_ =	swait.ge [sflag:s29], $0x1  }
0xb4: {  	[sflag:s29] =	ssyncadd.s32 $0xFFFFFFFF  }
0xb5: {  	_ =	strace $0x90000048  }
0xb6: {  	_ =	sfence  }
0xb7: {  	s30 =	sld [smem:$0x0];
	_ =	sdelay $0x2  }
0xb8: {  	s31 =	sshll.u32 s1, $0xD;
	s1 =	sshrl.u32 s1, $0x2  }
0xb9: {  	s3 =	sand.u32 $0x4000, s31;
	s1 =	sadd.s32 s1, s30  }
0xba: {  	s0 =	sor.u32 s3, s0;
	s1 =	sshll.u32 s1, $0x11  }
0xbb: {  	s0 =	sor.u32 s1, s0  }
0xbc: {  	s0 =	sadd.s32 $0x8F2B, s0  }
0xbd: {  	[sflag:s0] =	ssyncadd.remote.s32 $0x1  }
0xbe: {  	_ =	sfence.sel $0xFFFF  }
0xbf: {  	[dreg:$0x0] =	wrdreg $0xFFFFFFFF;
	(pc) =	sbr.abs _section_cstart, $3  }
0xc0: {  	[dreg:$0x1] =	wrdreg $0xFFFFFFFF  }
0xc1: {  	_ =	task.clear_ibuf [dreg:s7], $0x2FFFF;
	_ =	strace $0x9FFFFFFF  }
0xc2: {  	(tm) =	ssettm $0x7FFFFFFF  }
0xc3: {  	_ =	shalt  }
tec
execute0_lowered:
.L_overlay_start_1:
0x0: {  	(tag) =	ssettag $0x1  }
0x1: {  	s1 =	srdreg.scid  }
0x2: {  	s0 =	stileid.u32;
	s1 =	sand.u32 $0x1, s1  }
0x3: {  	s2 =	rddreg [dreg:$0x0];
	s3 =	sshll.u32 s0, $0x5;
	s4 =	sshll.u32 s1, $0x4  }
0x4: {  	s5 =	rddreg [dreg:$0x1];
	s4 =	sor.u32 s4, s3;
	s3 =	simm.s32 $0x0  }
0x5: {  	s6 =	smul.u32 $0x300, s4;
	[smem:$0x7FF] =	sst s3;
	s4 =	sadd.s32 s5, s4  }
0x6: {  	s25 =	simm.s32 $0x880;
	_ =	strace $0x80000047;
	[dreg:$0x3] =	wrdreg s4  }
0x7: {  	s26 =	simm.s32 $0x1080;
	[dreg:$0x5] =	wrdreg s25  }
0x8: {  	s0 =	simm.s32 $0x1880;
	[dreg:$0x6] =	wrdreg s26  }
0x9: {  	s7 =	simm.s32 $0x3080;
	[dreg:$0x7] =	wrdreg s0  }
0xa: {  	s8 =	simm.s32 $0x3880;
	[dreg:$0xa] =	wrdreg s7  }
0xb: {  	s9 =	simm.s32 $0x4080;
	[dreg:$0xb] =	wrdreg s8  }
0xc: {  	s10 =	simm.s32 $0x4880;
	[dreg:$0xc] =	wrdreg s9  }
0xd: {  	s11 =	simm.s32 $0x5080;
	[dreg:$0xd] =	wrdreg s10  }
0xe: {  	s12 =	simm.s32 $0x5880;
	[dreg:$0xe] =	wrdreg s11  }
0xf: {  	s13 =	simm.s32 $0x6080;
	[dreg:$0xf] =	wrdreg s12  }
0x10: {  	s14 =	simm.s32 $0x6880;
	[dreg:$0x10] =	wrdreg s13  }
0x11: {  	s15 =	simm.s32 $0x7080;
	[dreg:$0x11] =	wrdreg s14  }
0x12: {  	s16 =	simm.s32 $0x7880;
	s17 =	simm.s32 $0x8080;
	[dreg:$0x12] =	wrdreg s15  }
0x13: {  	s18 =	simm.s32 $0x8880;
	s19 =	simm.s32 $0x9080;
	[dreg:$0x13] =	wrdreg s16  }
0x14: {  	s21 =	simm.s32 $0x9880;
	s22 =	simm.s32 $0xA080;
	[dreg:$0x14] =	wrdreg s17  }
0x15: {  	s23 =	simm.s32 $0xA880;
	s28 =	simm.s32 $0x16080;
	[dreg:$0x15] =	wrdreg s18  }
0x16: {  	s29 =	simm.s32 $0x16880;
	s1 =	ssub.s32 $0x2, s1;
	[dreg:$0x16] =	wrdreg s19  }
0x17: {  	s30 =	simm.s32 $0x17080;
	s20 =	sshrl.u32 s1, $0x1;
	[dreg:$0x17] =	wrdreg s21  }
0x18: {  	s31 =	simm.s32 $0x17880;
	s1 =	ssub.s32 s1, s20;
	[dreg:$0x18] =	wrdreg s22  }
0x19: {  	s20 =	simm.s32 $0x12880;
	s4 =	sadd.s32 $0x100, s2;
	[dreg:$0x19] =	wrdreg s23  }
0x1a: {  	s7 =	simm.s32 $0xB080;
	s25 =	simm.s32 $0xC080;
	s8 =	simm.s32 $0x80  }
0x1b: {  	s26 =	simm.s32 $0xC880;
	s10 =	simm.s32 $0xD880;
	s11 =	simm.s32 $0xE080  }
0x1c: {  	s12 =	simm.s32 $0xE880;
	s13 =	simm.s32 $0xF080;
	s14 =	simm.s32 $0xF880  }
0x1d: {  	s15 =	simm.s32 $0x10080;
	s16 =	simm.s32 $0x10880;
	s17 =	simm.s32 $0x11080  }
0x1e: {  	s18 =	simm.s32 $0x11880;
	s19 =	simm.s32 $0x12080;
	s21 =	simm.s32 $0x13080  }
0x1f: {  	s22 =	simm.s32 $0x13880;
	s23 =	simm.s32 $0x14080;
	[dreg:$0x1a] =	wrdreg s7  }
0x20: {  	s6 =	sadd.s32 s6, s5;
	s5 =	simm.s32 $0x2080;
	[dreg:$0x1c] =	wrdreg s25  }
0x21: {  	s7 =	simm.s32 $0x2;
	[dreg:$0x1d] =	wrdreg s26;
	s25 =	simm.s32 $0x15080  }
0x22: {  	s26 =	simm.s32 $0x15880;
	s24 =	sadd.s32 $0x200, s6;
	[dreg:$0x8] =	wrdreg s5  }
0x23: {  	v2 =	vlaneseq.u32;
	s6 =	simm.s32 $0x2880;
	s5 =	sadd.s32 $0x200, s2;
	[dreg:$0x4] =	wrdreg s24  }
0x24: {  	vm0 =	vmmov $0xffff;
	v1 =	vshrl.u32 v2, $0x3;
	[dreg:$0x9] =	wrdreg s6;
	s6 =	smax.u32 s1, $0x1;
	s24 =	simm.s32 $0xB880  }
0x25: {  	v0 =	vand.u32 $0x7, v2;
	v2 =	vor.u32 $0x8, v2;
	v1 =	vmul.u32 $0x8, v1;
	s1 =	simm.s32 $0x1;
	[dreg:$0x1b] =	wrdreg s24;
	s24 =	simm.s32 $0x14880  }
.LBB2_1:
0x26: {  	s0 =	rddreg [dreg:$0x3]  }
0x27: {  	[tilespmem:s3], [sflag:$0x2] =	stream.linear.gather [hbm4b:s0+s3], $0x80, $0x38;
	[tilespmem:$0x18080] =	vst v63  }
0x28: {  	_ =	swait.ge [sflag:s7], $0x80  }
0x29: {  	[sflag:s7] =	ssyncset.done $0x0  }
0x2a: {  	[sflag:s7] =	ssyncadd.s32 $0xFFFFFF80  }
0x2b: {  	v3 =	vld [tilespmem:$0x0];
	_ =	sdelay $0x4  }
0x2c: {  	v4 =	vshrl.u32 v3, $0x3  }
0x2d: {  	v4 =	vmul.u32 $0x30, v4  }
0x2e: {  	v3 =	vand.u32 $0x7, v3  }
0x2f: {  	v3 =	vor.u32 v3, v4  }
0x30: {  	v4 =	vperm.xlane v3, v0;
	_ =	sdelay $0x1  }
0x31: {  	v4 =	vadd.s32 v1, v4;
	_ =	sdelay $0x3  }
0x32: {  	v3 =	vperm.xlane v3, v2  }
0x33: {  	[tilespmem:s8], [sflag:$0x1] =	stream.indirect_vreg.gather [hbm4b:s2+s3], $0x80, v4, vm0, $0xb8;
	[tilespmem:$0x18080] =	vst v63  }
0x34: {  	s0 =	rddreg [dreg:$0x5];
	v3 =	vadd.s32 v1, v3  }
0x35: {  	[tilespmem:s0], [sflag:$0x1] =	stream.indirect_vreg.gather [hbm4b:s4+s3], $0x80, v4, vm0, $0xb8;
	[tilespmem:$0x18080] =	vst v63  }
0x36: {  	s9 =	rddreg [dreg:$0x6]  }
0x37: {  	[tilespmem:s9], [sflag:$0x1] =	stream.indirect_vreg.gather [hbm4b:s5+s3], $0x80, v4, vm0, $0xb8;
	[tilespmem:$0x18080] =	vst v63  }
0x38: {  	s0 =	rddreg [dreg:$0x7]  }
0x39: {  	[tilespmem:s0], [sflag:$0x1] =	stream.indirect_vreg.gather [hbm4b:s2+s3], $0x80, v3, vm0, $0xb8;
	[tilespmem:$0x18080] =	vst v63  }
0x3a: {  	s9 =	rddreg [dreg:$0x8]  }
0x3b: {  	[tilespmem:s9], [sflag:$0x1] =	stream.indirect_vreg.gather [hbm4b:s4+s3], $0x80, v3, vm0, $0xb8;
	[tilespmem:$0x18080] =	vst v63  }
0x3c: {  	s0 =	rddreg [dreg:$0x9]  }
0x3d: {  	[tilespmem:s0], [sflag:$0x1] =	stream.indirect_vreg.gather [hbm4b:s5+s3], $0x80, v3, vm0, $0xb8;
	[tilespmem:$0x18080] =	vst v63  }
0x3e: {  	v3 =	vld [tilespmem:$0x10];
	_ =	sdelay $0x4  }
0x3f: {  	v57 =	vshrl.u32 v3, $0x3  }
0x40: {  	v4 =	vmul.u32 $0x30, v57  }
0x41: {  	v3 =	vand.u32 $0x7, v3  }
0x42: {  	v3 =	vor.u32 v3, v4  }
0x43: {  	v4 =	vperm.xlane v3, v0;
	_ =	sdelay $0x1  }
0x44: {  	v4 =	vadd.s32 v1, v4;
	_ =	sdelay $0x3  }
0x45: {  	s0 =	rddreg [dreg:$0xa];
	v3 =	vperm.xlane v3, v2  }
0x46: {  	[tilespmem:s0], [sflag:$0x1] =	stream.indirect_vreg.gather [hbm4b:s2+s3], $0x80, v4, vm0, $0xb8;
	[tilespmem:$0x18080] =	vst v63  }
0x47: {  	s9 =	rddreg [dreg:$0xb];
	v3 =	vadd.s32 v1, v3  }
0x48: {  	[tilespmem:s9], [sflag:$0x1] =	stream.indirect_vreg.gather [hbm4b:s4+s3], $0x80, v4, vm0, $0xb8;
	[tilespmem:$0x18080] =	vst v63  }
0x49: {  	s0 =	rddreg [dreg:$0xc]  }
0x4a: {  	[tilespmem:s0], [sflag:$0x1] =	stream.indirect_vreg.gather [hbm4b:s5+s3], $0x80, v4, vm0, $0xb8;
	[tilespmem:$0x18080] =	vst v63  }
0x4b: {  	s9 =	rddreg [dreg:$0xd]  }
0x4c: {  	[tilespmem:s9], [sflag:$0x1] =	stream.indirect_vreg.gather [hbm4b:s2+s3], $0x80, v3, vm0, $0xb8;
	[tilespmem:$0x18080] =	vst v63  }
0x4d: {  	s0 =	rddreg [dreg:$0xe]  }
0x4e: {  	[tilespmem:s0], [sflag:$0x1] =	stream.indirect_vreg.gather [hbm4b:s4+s3], $0x80, v3, vm0, $0xb8;
	[tilespmem:$0x18080] =	vst v63  }
0x4f: {  	s9 =	rddreg [dreg:$0xf]  }
0x50: {  	[tilespmem:s9], [sflag:$0x1] =	stream.indirect_vreg.gather [hbm4b:s5+s3], $0x80, v3, vm0, $0xb8;
	[tilespmem:$0x18080] =	vst v63  }
0x51: {  	v3 =	vld [tilespmem:$0x20];
	_ =	sdelay $0x4  }
0x52: {  	v58 =	vshrl.u32 v3, $0x3  }
0x53: {  	v4 =	vmul.u32 $0x30, v58  }
0x54: {  	v3 =	vand.u32 $0x7, v3  }
0x55: {  	v3 =	vor.u32 v3, v4  }
0x56: {  	v4 =	vperm.xlane v3, v0;
	_ =	sdelay $0x1  }
0x57: {  	v4 =	vadd.s32 v1, v4;
	_ =	sdelay $0x3  }
0x58: {  	s0 =	rddreg [dreg:$0x10];
	v3 =	vperm.xlane v3, v2  }
0x59: {  	[tilespmem:s0], [sflag:$0x1] =	stream.indirect_vreg.gather [hbm4b:s2+s3], $0x80, v4, vm0, $0xb8;
	[tilespmem:$0x18080] =	vst v63  }
0x5a: {  	s9 =	rddreg [dreg:$0x11];
	v3 =	vadd.s32 v1, v3  }
0x5b: {  	[tilespmem:s9], [sflag:$0x1] =	stream.indirect_vreg.gather [hbm4b:s4+s3], $0x80, v4, vm0, $0xb8;
	[tilespmem:$0x18080] =	vst v63  }
0x5c: {  	s0 =	rddreg [dreg:$0x12]  }
0x5d: {  	[tilespmem:s0], [sflag:$0x1] =	stream.indirect_vreg.gather [hbm4b:s5+s3], $0x80, v4, vm0, $0xb8;
	[tilespmem:$0x18080] =	vst v63  }
0x5e: {  	s9 =	rddreg [dreg:$0x13]  }
0x5f: {  	[tilespmem:s9], [sflag:$0x1] =	stream.indirect_vreg.gather [hbm4b:s2+s3], $0x80, v3, vm0, $0xb8;
	[tilespmem:$0x18080] =	vst v63  }
0x60: {  	s0 =	rddreg [dreg:$0x14]  }
0x61: {  	[tilespmem:s0], [sflag:$0x1] =	stream.indirect_vreg.gather [hbm4b:s4+s3], $0x80, v3, vm0, $0xb8;
	[tilespmem:$0x18080] =	vst v63  }
0x62: {  	s9 =	rddreg [dreg:$0x15]  }
0x63: {  	[tilespmem:s9], [sflag:$0x1] =	stream.indirect_vreg.gather [hbm4b:s5+s3], $0x80, v3, vm0, $0xb8;
	[tilespmem:$0x18080] =	vst v63  }
0x64: {  	v3 =	vld [tilespmem:$0x30];
	_ =	sdelay $0x4  }
0x65: {  	v59 =	vshrl.u32 v3, $0x3  }
0x66: {  	v4 =	vmul.u32 $0x30, v59  }
0x67: {  	v3 =	vand.u32 $0x7, v3  }
0x68: {  	v3 =	vor.u32 v3, v4  }
0x69: {  	v4 =	vperm.xlane v3, v0;
	_ =	sdelay $0x1  }
0x6a: {  	v4 =	vadd.s32 v1, v4;
	_ =	sdelay $0x3  }
0x6b: {  	s0 =	rddreg [dreg:$0x16];
	v3 =	vperm.xlane v3, v2  }
0x6c: {  	[tilespmem:s0], [sflag:$0x1] =	stream.indirect_vreg.gather [hbm4b:s2+s3], $0x80, v4, vm0, $0xb8;
	[tilespmem:$0x18080] =	vst v63  }
0x6d: {  	s9 =	rddreg [dreg:$0x17];
	v3 =	vadd.s32 v1, v3  }
0x6e: {  	[tilespmem:s9], [sflag:$0x1] =	stream.indirect_vreg.gather [hbm4b:s4+s3], $0x80, v4, vm0, $0xb8;
	[tilespmem:$0x18080] =	vst v63  }
0x6f: {  	s0 =	rddreg [dreg:$0x18]  }
0x70: {  	[tilespmem:s0], [sflag:$0x1] =	stream.indirect_vreg.gather [hbm4b:s5+s3], $0x80, v4, vm0, $0xb8;
	[tilespmem:$0x18080] =	vst v63  }
0x71: {  	s9 =	rddreg [dreg:$0x19]  }
0x72: {  	[tilespmem:s9], [sflag:$0x1] =	stream.indirect_vreg.gather [hbm4b:s2+s3], $0x80, v3, vm0, $0xb8;
	[tilespmem:$0x18080] =	vst v63  }
0x73: {  	s0 =	rddreg [dreg:$0x1a]  }
0x74: {  	[tilespmem:s0], [sflag:$0x1] =	stream.indirect_vreg.gather [hbm4b:s4+s3], $0x80, v3, vm0, $0xb8;
	[tilespmem:$0x18080] =	vst v63  }
0x75: {  	s9 =	rddreg [dreg:$0x1b]  }
0x76: {  	[tilespmem:s9], [sflag:$0x1] =	stream.indirect_vreg.gather [hbm4b:s5+s3], $0x80, v3, vm0, $0xb8;
	[tilespmem:$0x18080] =	vst v63  }
0x77: {  	v3 =	vld [tilespmem:$0x40];
	_ =	sdelay $0x4  }
0x78: {  	v60 =	vshrl.u32 v3, $0x3  }
0x79: {  	v4 =	vmul.u32 $0x30, v60  }
0x7a: {  	v3 =	vand.u32 $0x7, v3  }
0x7b: {  	v3 =	vor.u32 v3, v4  }
0x7c: {  	v4 =	vperm.xlane v3, v0;
	_ =	sdelay $0x1  }
0x7d: {  	v4 =	vadd.s32 v1, v4;
	_ =	sdelay $0x3  }
0x7e: {  	s0 =	rddreg [dreg:$0x1c];
	v3 =	vperm.xlane v3, v2  }
0x7f: {  	[tilespmem:s0], [sflag:$0x1] =	stream.indirect_vreg.gather [hbm4b:s2+s3], $0x80, v4, vm0, $0xb8;
	[tilespmem:$0x18080] =	vst v63  }
0x80: {  	s9 =	rddreg [dreg:$0x1d];
	v3 =	vadd.s32 v1, v3  }
0x81: {  	[tilespmem:s9], [sflag:$0x1] =	stream.indirect_vreg.gather [hbm4b:s4+s3], $0x80, v4, vm0, $0xb8;
	[tilespmem:$0x18080] =	vst v63  }
0x82: {  	s9 =	simm.s32 $0xD080  }
0x83: {  	[tilespmem:s9], [sflag:$0x1] =	stream.indirect_vreg.gather [hbm4b:s5+s3], $0x80, v4, vm0, $0xb8;
	[tilespmem:$0x18080] =	vst v63  }
0x84: {  	_ = 	snop  }
0x85: {  	[tilespmem:s10], [sflag:$0x1] =	stream.indirect_vreg.gather [hbm4b:s2+s3], $0x80, v3, vm0, $0xb8;
	[tilespmem:$0x18080] =	vst v63  }
0x86: {  	_ = 	snop  }
0x87: {  	[tilespmem:s11], [sflag:$0x1] =	stream.indirect_vreg.gather [hbm4b:s4+s3], $0x80, v3, vm0, $0xb8;
	[tilespmem:$0x18080] =	vst v63  }
0x88: {  	_ = 	snop  }
0x89: {  	[tilespmem:s12], [sflag:$0x1] =	stream.indirect_vreg.gather [hbm4b:s5+s3], $0x80, v3, vm0, $0xb8;
	[tilespmem:$0x18080] =	vst v63  }
0x8a: {  	v3 =	vld [tilespmem:$0x50];
	_ =	sdelay $0x4  }
0x8b: {  	v61 =	vshrl.u32 v3, $0x3  }
0x8c: {  	v4 =	vmul.u32 $0x30, v61  }
0x8d: {  	v3 =	vand.u32 $0x7, v3  }
0x8e: {  	v3 =	vor.u32 v3, v4  }
0x8f: {  	v4 =	vperm.xlane v3, v0;
	_ =	sdelay $0x1  }
0x90: {  	v4 =	vadd.s32 v1, v4;
	_ =	sdelay $0x3  }
0x91: {  	v3 =	vperm.xlane v3, v2  }
0x92: {  	[tilespmem:s13], [sflag:$0x1] =	stream.indirect_vreg.gather [hbm4b:s2+s3], $0x80, v4, vm0, $0xb8;
	[tilespmem:$0x18080] =	vst v63  }
0x93: {  	v3 =	vadd.s32 v1, v3  }
0x94: {  	[tilespmem:s14], [sflag:$0x1] =	stream.indirect_vreg.gather [hbm4b:s4+s3], $0x80, v4, vm0, $0xb8;
	[tilespmem:$0x18080] =	vst v63  }
0x95: {  	_ = 	snop  }
0x96: {  	[tilespmem:s15], [sflag:$0x1] =	stream.indirect_vreg.gather [hbm4b:s5+s3], $0x80, v4, vm0, $0xb8;
	[tilespmem:$0x18080] =	vst v63  }
0x97: {  	_ = 	snop  }
0x98: {  	[tilespmem:s16], [sflag:$0x1] =	stream.indirect_vreg.gather [hbm4b:s2+s3], $0x80, v3, vm0, $0xb8;
	[tilespmem:$0x18080] =	vst v63  }
0x99: {  	_ = 	snop  }
0x9a: {  	[tilespmem:s17], [sflag:$0x1] =	stream.indirect_vreg.gather [hbm4b:s4+s3], $0x80, v3, vm0, $0xb8;
	[tilespmem:$0x18080] =	vst v63  }
0x9b: {  	_ = 	snop  }
0x9c: {  	[tilespmem:s18], [sflag:$0x1] =	stream.indirect_vreg.gather [hbm4b:s5+s3], $0x80, v3, vm0, $0xb8;
	[tilespmem:$0x18080] =	vst v63  }
0x9d: {  	v3 =	vld [tilespmem:$0x60];
	_ =	sdelay $0x4  }
0x9e: {  	v62 =	vshrl.u32 v3, $0x3  }
0x9f: {  	v4 =	vmul.u32 $0x30, v62  }
0xa0: {  	v3 =	vand.u32 $0x7, v3  }
0xa1: {  	v3 =	vor.u32 v3, v4  }
0xa2: {  	v4 =	vperm.xlane v3, v0;
	_ =	sdelay $0x1  }
0xa3: {  	v4 =	vadd.s32 v1, v4;
	_ =	sdelay $0x3  }
0xa4: {  	v3 =	vperm.xlane v3, v2  }
0xa5: {  	[tilespmem:s19], [sflag:$0x1] =	stream.indirect_vreg.gather [hbm4b:s2+s3], $0x80, v4, vm0, $0xb8;
	[tilespmem:$0x18080] =	vst v63  }
0xa6: {  	v3 =	vadd.s32 v1, v3  }
0xa7: {  	[tilespmem:s20], [sflag:$0x1] =	stream.indirect_vreg.gather [hbm4b:s4+s3], $0x80, v4, vm0, $0xb8;
	[tilespmem:$0x18080] =	vst v63  }
0xa8: {  	_ = 	snop  }
0xa9: {  	[tilespmem:s21], [sflag:$0x1] =	stream.indirect_vreg.gather [hbm4b:s5+s3], $0x80, v4, vm0, $0xb8;
	[tilespmem:$0x18080] =	vst v63  }
0xaa: {  	_ = 	snop  }
0xab: {  	[tilespmem:s22], [sflag:$0x1] =	stream.indirect_vreg.gather [hbm4b:s2+s3], $0x80, v3, vm0, $0xb8;
	[tilespmem:$0x18080] =	vst v63  }
0xac: {  	_ = 	snop  }
0xad: {  	[tilespmem:s23], [sflag:$0x1] =	stream.indirect_vreg.gather [hbm4b:s4+s3], $0x80, v3, vm0, $0xb8;
	[tilespmem:$0x18080] =	vst v63  }
0xae: {  	_ = 	snop  }
0xaf: {  	[tilespmem:s24], [sflag:$0x1] =	stream.indirect_vreg.gather [hbm4b:s5+s3], $0x80, v3, vm0, $0xb8;
	[tilespmem:$0x18080] =	vst v63  }
0xb0: {  	v3 =	vld [tilespmem:$0x70];
	_ =	sdelay $0x4  }
0xb1: {  	v63 =	vshrl.u32 v3, $0x3  }
0xb2: {  	v4 =	vmul.u32 $0x30, v63  }
0xb3: {  	v3 =	vand.u32 $0x7, v3  }
0xb4: {  	v3 =	vor.u32 v3, v4  }
0xb5: {  	v4 =	vperm.xlane v3, v0;
	_ =	sdelay $0x1  }
0xb6: {  	v4 =	vadd.s32 v1, v4;
	_ =	sdelay $0x3  }
0xb7: {  	v3 =	vperm.xlane v3, v2  }
0xb8: {  	[tilespmem:s25], [sflag:$0x1] =	stream.indirect_vreg.gather [hbm4b:s2+s3], $0x80, v4, vm0, $0xb8;
	[tilespmem:$0x18080] =	vst v63  }
0xb9: {  	v3 =	vadd.s32 v1, v3  }
0xba: {  	[tilespmem:s26], [sflag:$0x1] =	stream.indirect_vreg.gather [hbm4b:s4+s3], $0x80, v4, vm0, $0xb8;
	[tilespmem:$0x18080] =	vst v63  }
0xbb: {  	_ = 	snop  }
0xbc: {  	[tilespmem:s28], [sflag:$0x1] =	stream.indirect_vreg.gather [hbm4b:s5+s3], $0x80, v4, vm0, $0xb8;
	[tilespmem:$0x18080] =	vst v63  }
0xbd: {  	_ = 	snop  }
0xbe: {  	[tilespmem:s29], [sflag:$0x1] =	stream.indirect_vreg.gather [hbm4b:s2+s3], $0x80, v3, vm0, $0xb8;
	[tilespmem:$0x18080] =	vst v63  }
0xbf: {  	_ = 	snop  }
0xc0: {  	[tilespmem:s30], [sflag:$0x1] =	stream.indirect_vreg.gather [hbm4b:s4+s3], $0x80, v3, vm0, $0xb8;
	[tilespmem:$0x18080] =	vst v63  }
0xc1: {  	_ = 	snop  }
0xc2: {  	[tilespmem:s31], [sflag:$0x1] =	stream.indirect_vreg.gather [hbm4b:s5+s3], $0x80, v3, vm0, $0xb8;
	[tilespmem:$0x18080] =	vst v63  }
0xc3: {  	_ =	swait.ge [sflag:s1], $0x18000  }
0xc4: {  	p0 =	sne.s32 s6, $0x1;
	[sflag:s1] =	ssyncset.done $0x0  }
.Ltmp0:
0xc5: {  	s9 =	rddreg [dreg:$0x4];
	[sflag:s1] =	ssyncadd.s32 $0xFFFE8000;
	(pc) =	sbr.rel @p0 .LBB2_1-.Ltmp0, $4  }
0xc6: {  	[hbm4b:s9+s3] =	stream.linear.scatter [tilespmem:s8], [sflag:$0x2], $0x18000, $0x38;
	[tilespmem:$0x18080] =	vst v63  }
0xc7: {  	_ =	swait.ge [sflag:s7], $0x18000  }
0xc8: {  	[sflag:s7] =	ssyncset.done $0x0  }
0xc9: {  	s6 =	sadd.s32 $0xFFFFFFFF, s6;
	[sflag:s7] =	ssyncadd.s32 $0xFFFE8000  }
0xca: {  	_ =	sfence.sel $0x180000  }
0xcb: {  	[bflag:$0x0] =	sbarrier.arrive $0xFFFF  }
0xcc: {  	_ =	strace $0x90000047  }
0xcd: {  	s0 =	stileid.u32;
	[bflag:$0x2] =	sbarrier.arrive $0xFFFF  }
0xce: {  	p0 =	sne.s32 s0, $0x0;
	s0 =	rddreg [dreg:$0x2]  }
0xcf: {  	s0 =	sadd.s32 @!p0 $0x100000, s0  }
0xd0: {  	[sflag:s0] =	ssyncadd.tile.s32 @!p0 $0x1;
	_ =	shalt  }
.Lfunc_end2:
_tile_overlayer_lowered:
.L_overlay_start_2:
0xd1: {  	(tag) =	ssettag $0x2  }
0xd2: {  	s0 =	rddreg [dreg:$0x0];
	s2 =	stileid.u32  }
0xd3: {  	s1 =	rddreg [dreg:$0x1];
	p0 =	sne.s32 s2, $0x0  }
0xd4: {  	s3 =	rddreg [dreg:$0x2];
	[bflag:$0x3] =	sbarrier.arrive $0xFFFF;
	s2 =	simm.s32 @!p0 $0x1C02  }
0xd5: {  	[timem:s3], [sflag:s2] =	dma.local @!p0 [hbm:s0], s1  }
0xd6: {  	s0 =	simm.s32 @!p0 $0x2  }
0xd7: {  	_ =	swait.ge @!p0 [sflag:s0], s1  }
0xd8: {  	s1 =	ssub.s32 @!p0 $0x0, s1;
	[sflag:s0] =	ssyncset.done @!p0 $0x0  }
0xd9: {  	[sflag:s0] =	ssyncadd.s32 @!p0 s1  }
0xda: {  	[bflag:$0x3] =	sbarrier.arrive $0xFFFF  }
0xdb: {  	_ =	shalt  }

</sc_bundles>
